<compile_context>
chip_gen: v7x
topology: tpu7x:2x2x1
jax: 0.10.2.dev20260603
libtpu: 0.0.44.dev20260713+nightly
codegen_flags: <defaults>
</compile_context>

<pallas_src>
import functools

import jax
import jax.numpy as jnp
from jax import lax
from jax.experimental import pallas as pl
from jax.experimental.pallas import tpu as pltpu
from jax.experimental.pallas import tpu_sc as plsc

VOCAB = 1000000
B = 16384
EMB = 64
INPUT_DIM = 2 * EMB
HID = 128
OUT = 64

NC = 2
NS = 16
NW = NC * NS
B_PER_W = B // NW
CHUNK = 128
NCHUNK = B_PER_W // CHUNK

TCOLS = 16384
BS = TCOLS.bit_length() - 1
Q = TCOLS // 4
TGRID = (VOCAB + TCOLS - 1) // TCOLS
NQUAD = TGRID * Q


def _pack_quads(x):
  u = lax.bitcast_convert_type(x, jnp.uint32)
  mask = jnp.uint32(0xFFFF0000)
  p = (u[:, 2 * Q:] & mask) | (u[:, :2 * Q] >> 16)
  pt = jnp.swapaxes(p, 0, 1)
  return lax.bitcast_convert_type(
      jnp.concatenate([pt[:Q], pt[Q:]], axis=1), jnp.int32)


def _relayout_body(at_ref, al_ref, ot_ref, ol_ref):
  ot_ref[...] = _pack_quads(at_ref[...])
  ol_ref[...] = _pack_quads(al_ref[...])


def _relayout(tabT_t, tabT_l):
  return pl.pallas_call(
      _relayout_body,
      grid=(TGRID,),
      in_specs=[
          pl.BlockSpec((EMB, TCOLS), lambda i: (0, i)),
          pl.BlockSpec((EMB, TCOLS), lambda i: (0, i)),
      ],
      out_specs=[
          pl.BlockSpec((Q, 128), lambda i: (i, 0)),
          pl.BlockSpec((Q, 128), lambda i: (i, 0)),
      ],
      out_shape=[
          jax.ShapeDtypeStruct((NQUAD, 128), jnp.int32),
          jax.ShapeDtypeStruct((NQUAD, 128), jnp.int32),
      ],
  )(tabT_t, tabT_l)


def _sc_gather_body(tab_t_hbm, tab_l_hbm, idx_t_hbm, idx_l_hbm,
                    out_t_hbm, out_l_hbm, idx_v, rows_v, sem):
  wid = lax.axis_index("s") * NC + lax.axis_index("c")
  base_chunk = wid * NCHUNK
  base_row = wid * B_PER_W

  for tab_hbm, idx_hbm, out_hbm in (
      (tab_t_hbm, idx_t_hbm, out_t_hbm),
      (tab_l_hbm, idx_l_hbm, out_l_hbm),
  ):
    pltpu.sync_copy(idx_hbm.at[pl.ds(base_chunk, NCHUNK)], idx_v)
    copies = []
    for j in range(NCHUNK):
      copies.append(pltpu.async_copy(
          tab_hbm.at[idx_v.at[j]], rows_v.at[pl.ds(j * CHUNK, CHUNK)],
          sem))
    for c in copies:
      c.wait()
    pltpu.sync_copy(rows_v, out_hbm.at[pl.ds(base_row, B_PER_W)])


@functools.cache
def _sc_gather():
  return pl.kernel(
      _sc_gather_body,
      out_type=(
          jax.ShapeDtypeStruct((B, 128), jnp.int32),
          jax.ShapeDtypeStruct((B, 128), jnp.int32),
      ),
      mesh=plsc.VectorSubcoreMesh(core_axis_name="c", subcore_axis_name="s"),
      scratch_types=[
          pltpu.VMEM((NCHUNK, CHUNK), jnp.int32),
          pltpu.VMEM((B_PER_W, 128), jnp.int32),
          pltpu.SemaphoreType.DMA,
      ],
  )


BT = 2048


def _select_quarter(x, jlo, jhi):
  u = lax.bitcast_convert_type(x, jnp.uint32)
  hi = lax.bitcast_convert_type(u & jnp.uint32(0xFFFF0000), jnp.float32)
  lo = lax.bitcast_convert_type(u << 16, jnp.float32)
  c = jnp.where(jhi > 0.5, hi, lo)
  return jnp.where(jlo > 0.5, c[:, EMB:], c[:, :EMB])


def _mlp_body(qt_ref, ql_ref, tlo_ref, thi_ref, llo_ref, lhi_ref,
              ln1w_ref, ln1b_ref, w1t_ref, b1_ref, w2t_ref, b2_ref,
              ln2w_ref, ln2b_ref, out_ref):
  et = _select_quarter(qt_ref[...], tlo_ref[...], thi_ref[...])
  el = _select_quarter(ql_ref[...], llo_ref[...], lhi_ref[...])
  x = jnp.concatenate([et, el], axis=1)
  mu = jnp.mean(x, axis=1, keepdims=True)
  xc = x - mu
  var = jnp.mean(xc * xc, axis=1, keepdims=True)
  h = xc * jax.lax.rsqrt(var + 1e-5) * ln1w_ref[...] + ln1b_ref[...]
  h = jnp.dot(h, w1t_ref[...], preferred_element_type=jnp.float32)
  h = jnp.maximum(h + b1_ref[...], 0.0)
  y = jnp.dot(h, w2t_ref[...], preferred_element_type=jnp.float32)
  y = y + b2_ref[...]
  mu2 = jnp.mean(y, axis=1, keepdims=True)
  yc = y - mu2
  var2 = jnp.mean(yc * yc, axis=1, keepdims=True)
  out_ref[...] = yc * jax.lax.rsqrt(var2 + 1e-5) * ln2w_ref[...] + ln2b_ref[...]


def _mlp(qt, ql, tlo, thi, llo, lhi, ln1w, ln1b, w1t, b1, w2t, b2,
         ln2w, ln2b):
  full = lambda shape: pl.BlockSpec(shape, lambda i: tuple(0 for _ in shape))
  par = pl.BlockSpec((BT, 1), lambda i: (i, 0))
  return pl.pallas_call(
      _mlp_body,
      grid=(B // BT,),
      in_specs=[
          pl.BlockSpec((BT, 128), lambda i: (i, 0)),
          pl.BlockSpec((BT, 128), lambda i: (i, 0)),
          par, par, par, par,
          full((1, INPUT_DIM)), full((1, INPUT_DIM)),
          full((INPUT_DIM, HID)), full((1, HID)),
          full((HID, OUT)), full((1, OUT)),
          full((1, OUT)), full((1, OUT)),
      ],
      out_specs=pl.BlockSpec((BT, OUT), lambda i: (i, 0)),
      out_shape=jax.ShapeDtypeStruct((B, OUT), jnp.float32),
  )(qt, ql, tlo, thi, llo, lhi, ln1w, ln1b, w1t, b1, w2t, b2, ln2w, ln2b)


def kernel(Type, Location, emb_type, emb_loc, ln1_w, ln1_b, w1, b1, w2, b2,
           ln2_w, ln2_b):
  it = Type.astype(jnp.int32)
  il = Location.astype(jnp.int32)
  quad = lambda r: ((r >> BS) << (BS - 2)) | (r & (Q - 1))
  jlo = lambda r: ((r >> (BS - 2)) & 1).astype(jnp.float32).reshape(B, 1)
  jhi = lambda r: ((r >> (BS - 1)) & 1).astype(jnp.float32).reshape(B, 1)
  idx_t = jnp.reshape(quad(it), (B // CHUNK, CHUNK))
  idx_l = jnp.reshape(quad(il), (B // CHUNK, CHUNK))
  qtab_t, qtab_l = _relayout(emb_type.T, emb_loc.T)
  qt, ql = _sc_gather()(qtab_t, qtab_l, idx_t, idx_l)
  return _mlp(
      qt, ql, jlo(it), jhi(it), jlo(il), jhi(il),
      ln1_w.reshape(1, INPUT_DIM), ln1_b.reshape(1, INPUT_DIM),
      w1.T, b1.reshape(1, HID),
      w2.T, b2.reshape(1, OUT),
      ln2_w.reshape(1, OUT), ln2_b.reshape(1, OUT),
  )

# --- scband reference (transcript-rebuilt; emitter-appended) ---
"""Pipeline reference for scband-trans-embedding-33294586479122 (READ-ONLY COPY).

The authoritative reference and input builder live on the scoring server;
editing this copy changes nothing except your own understanding.
"""

import jax, jax.numpy as jnp
import numpy as np

VOCAB = 1000000
B = 16384
EMB = 64      # node_emb_dim
FEAT = 64     # feats_dim
INPUT_DIM = 2 * EMB  # node_emb_dim * (len(cat_features) - 2) with cat_features=['Source','Target','Type','Location']


def _layernorm(x, w, b, eps=1e-5):
    mu = jnp.mean(x, axis=-1, keepdims=True)
    var = jnp.var(x, axis=-1, keepdims=True)
    return (x - mu) / jnp.sqrt(var + eps) * w + b


def setup_inputs(seed: int = 0) -> dict:
    key = jax.random.key(seed)
    ks = jax.random.split(key, 12)
    Type = jax.random.randint(ks[0], (B,), 0, VOCAB)
    Location = jax.random.randint(ks[1], (B,), 0, VOCAB)
    # Embedding tables (nn.Embedding default init ~ N(0,1))
    emb_type = jax.random.normal(ks[2], (VOCAB, EMB), dtype=jnp.float32)
    emb_loc = jax.random.normal(ks[3], (VOCAB, EMB), dtype=jnp.float32)
    # LayerNorm over concatenated embeddings
    ln1_w = jnp.ones((INPUT_DIM,), dtype=jnp.float32)
    ln1_b = jnp.zeros((INPUT_DIM,), dtype=jnp.float32)
    # MLP: Linear(INPUT_DIM, 2*FEAT) -> ReLU -> (Dropout identity at eval) -> Linear(2*FEAT, FEAT) -> LayerNorm(FEAT)
    w1 = jax.random.normal(ks[4], (2 * FEAT, INPUT_DIM), dtype=jnp.float32) * 0.02
    b1 = jnp.zeros((2 * FEAT,), dtype=jnp.float32)
    w2 = jax.random.normal(ks[5], (FEAT, 2 * FEAT), dtype=jnp.float32) * 0.02
    b2 = jnp.zeros((FEAT,), dtype=jnp.float32)
    ln2_w = jnp.ones((FEAT,), dtype=jnp.float32)
    ln2_b = jnp.zeros((FEAT,), dtype=jnp.float32)
    return {
        "Type": Type, "Location": Location,
        "emb_type": emb_type, "emb_loc": emb_loc,
        "ln1_w": ln1_w, "ln1_b": ln1_b,
        "w1": w1, "b1": b1, "w2": w2, "b2": b2,
        "ln2_w": ln2_w, "ln2_b": ln2_b,
    }


def reference(Type, Location, emb_type, emb_loc, ln1_w, ln1_b, w1, b1, w2, b2, ln2_w, ln2_b):
    # cat_embeddings = [emb_dict['Type'](df['Type']), emb_dict['Location'](df['Location'])]
    e_t = jnp.take(emb_type, Type, axis=0)
    e_l = jnp.take(emb_loc, Location, axis=0)
    combined = jnp.concatenate([e_t, e_l], axis=1)
    # source_emb / target_emb are None -> skip that branch
    h = _layernorm(combined, ln1_w, ln1_b)
    h = jnp.maximum(h @ w1.T + b1, 0.0)   # Linear + ReLU (dropout = identity at inference)
    h = h @ w2.T + b2
    return _layernorm(h, ln2_w, ln2_b)

if __name__ == "__main__":
    import jax
    _d = setup_inputs()
    print(jax.jit(kernel)(*tuple(_d.values())))

</pallas_src>

<mosaic_0001>
#map = affine_map<(d0, d1) -> (0, 0)>
module attributes {stable_mosaic.version = 14 : i64} {
  func.func @_sc_gather_body(%arg0: i32, %arg1: i32, %arg2: memref<253952x128xi32, #tpu.memory_space<hbm>>, %arg3: memref<253952x128xi32, #tpu.memory_space<hbm>>, %arg4: memref<128x128xi32, #tpu.memory_space<hbm>>, %arg5: memref<128x128xi32, #tpu.memory_space<hbm>>, %arg6: memref<16384x128xi32, #tpu.memory_space<hbm>>, %arg7: memref<16384x128xi32, #tpu.memory_space<hbm>>, %arg8: memref<4x128xi32, #tpu.memory_space<vmem>>, %arg9: memref<512x128xi32, #tpu.memory_space<vmem>>, %arg10: memref<!tpu.dma_semaphore, #tpu.memory_space<semaphore_mem>>) attributes {dimension_semantics = [#tpu.dimension_semantics<core_parallel>, #tpu.dimension_semantics<subcore_parallel>], iteration_bounds = array<i64: 2, 16>, scalar_prefetch = 0 : i64, scratch_operands = 3 : i64, tpu.core_type = #tpu.core_type<sc_vector_subcore>, window_params = [{transform_indices = #map}, {transform_indices = #map}, {transform_indices = #map}, {transform_indices = #map}, {transform_indices = #map}, {transform_indices = #map}]} {
    %mul3A = arith.constant 2 : i32
    %mul3A_0 = arith.muli %arg1, %mul3A : i32
    %add3A = arith.addi %mul3A_0, %arg0 : i32
    %mul3A_1 = arith.constant 4 : i32
    %mul3A_2 = arith.muli %add3A, %mul3A_1 : i32
    %mul3A_3 = arith.constant 512 : i32
    %mul3A_4 = arith.muli %add3A, %mul3A_3 : i32
    "tpu.region"() ({
      %run_scoped3A = tpu.sem_alloc : memref<!tpu.dma_semaphore, #tpu.memory_space<semaphore_mem>>
      %dma_start3A_163 = arith.constant 0 : i32
      %dma_start3A_164 = tpu.memref_slice %arg4[%mul3A_2, %dma_start3A_163] : memref<128x128xi32, #tpu.memory_space<hbm>> -> memref<4x128xi32, #tpu.memory_space<hbm>>
      %dma_start3A_165 = arith.constant 0 : i32
      %dma_start3A_166 = tpu.memref_slice %arg4[%mul3A_2, %dma_start3A_165] : memref<128x128xi32, #tpu.memory_space<hbm>> -> memref<4x128xi32, #tpu.memory_space<hbm>>
      tpu.enqueue_dma source(%dma_start3A_166 : memref<4x128xi32, #tpu.memory_space<hbm>>) target(%arg8 : memref<4x128xi32, #tpu.memory_space<vmem>>) target_semaphore(%run_scoped3A : memref<!tpu.dma_semaphore, #tpu.memory_space<semaphore_mem>>)
      %dma_wait3A_167 = arith.constant 0 : i32
      %dma_wait3A_168 = tpu.memref_slice %arg4[%mul3A_2, %dma_wait3A_167] : memref<128x128xi32, #tpu.memory_space<hbm>> -> memref<4x128xi32, #tpu.memory_space<hbm>>
      %dma_wait3A_169 = arith.constant 0 : i32
      %dma_wait3A_170 = tpu.memref_slice %arg4[%mul3A_2, %dma_wait3A_169] : memref<128x128xi32, #tpu.memory_space<hbm>> -> memref<4x128xi32, #tpu.memory_space<hbm>>
      tpu.wait_dma2 semaphore(%run_scoped3A : memref<!tpu.dma_semaphore, #tpu.memory_space<semaphore_mem>>) src(%dma_wait3A_170 : memref<4x128xi32, #tpu.memory_space<hbm>>) dst(%arg8 : memref<4x128xi32, #tpu.memory_space<vmem>>)
      tpu.yield
    }) : () -> ()
    %dma_start3A = arith.constant 0 : i32
    %dma_start3A_5 = arith.constant 0 : i32
    %dma_start3A_6 = arith.constant 0 : i32
    %dma_start3A_7 = tpu.memref_slice %arg9[%dma_start3A_5, %dma_start3A_6] : memref<512x128xi32, #tpu.memory_space<vmem>> -> memref<128x128xi32, #tpu.memory_space<vmem>>
    %dma_start3A_8 = arith.constant 0 : i32
    %dma_start3A_9 = tpu.memref_slice %arg8[%dma_start3A, %dma_start3A_8] : memref<4x128xi32, #tpu.memory_space<vmem>> -> memref<1x128xi32, #tpu.memory_space<vmem>>
    %dma_start3A_10 = tpu.memref_squeeze %dma_start3A_9 : memref<1x128xi32, #tpu.memory_space<vmem>> -> memref<128xi32, #tpu.memory_space<vmem>>
    %dma_start3A_11 = arith.constant 0 : i32
    %dma_start3A_12 = arith.constant 0 : i32
    %dma_start3A_13 = tpu.memref_slice %arg2[%dma_start3A_11, %dma_start3A_12] : memref<253952x128xi32, #tpu.memory_space<hbm>> -> memref<253952x128xi32, #tpu.memory_space<hbm>>
    tpu.enqueue_indirect_dma source(%dma_start3A_13 : memref<253952x128xi32, #tpu.memory_space<hbm>>) target(%dma_start3A_7 : memref<128x128xi32, #tpu.memory_space<vmem>>) offsets(%dma_start3A_10 : memref<128xi32, #tpu.memory_space<vmem>>) semaphore(%arg10 : memref<!tpu.dma_semaphore, #tpu.memory_space<semaphore_mem>>)
    %dma_start3A_14 = arith.constant 1 : i32
    %dma_start3A_15 = arith.constant 128 : i32
    %dma_start3A_16 = arith.constant 0 : i32
    %dma_start3A_17 = tpu.memref_slice %arg9[%dma_start3A_15, %dma_start3A_16] : memref<512x128xi32, #tpu.memory_space<vmem>> -> memref<128x128xi32, #tpu.memory_space<vmem>>
    %dma_start3A_18 = arith.constant 0 : i32
    %dma_start3A_19 = tpu.memref_slice %arg8[%dma_start3A_14, %dma_start3A_18] : memref<4x128xi32, #tpu.memory_space<vmem>> -> memref<1x128xi32, #tpu.memory_space<vmem>>
    %dma_start3A_20 = tpu.memref_squeeze %dma_start3A_19 : memref<1x128xi32, #tpu.memory_space<vmem>> -> memref<128xi32, #tpu.memory_space<vmem>>
    %dma_start3A_21 = arith.constant 0 : i32
    %dma_start3A_22 = arith.constant 0 : i32
    %dma_start3A_23 = tpu.memref_slice %arg2[%dma_start3A_21, %dma_start3A_22] : memref<253952x128xi32, #tpu.memory_space<hbm>> -> memref<253952x128xi32, #tpu.memory_space<hbm>>
    tpu.enqueue_indirect_dma source(%dma_start3A_23 : memref<253952x128xi32, #tpu.memory_space<hbm>>) target(%dma_start3A_17 : memref<128x128xi32, #tpu.memory_space<vmem>>) offsets(%dma_start3A_20 : memref<128xi32, #tpu.memory_space<vmem>>) semaphore(%arg10 : memref<!tpu.dma_semaphore, #tpu.memory_space<semaphore_mem>>)
    %dma_start3A_24 = arith.constant 2 : i32
    %dma_start3A_25 = arith.constant 256 : i32
    %dma_start3A_26 = arith.constant 0 : i32
    %dma_start3A_27 = tpu.memref_slice %arg9[%dma_start3A_25, %dma_start3A_26] : memref<512x128xi32, #tpu.memory_space<vmem>> -> memref<128x128xi32, #tpu.memory_space<vmem>>
    %dma_start3A_28 = arith.constant 0 : i32
    %dma_start3A_29 = tpu.memref_slice %arg8[%dma_start3A_24, %dma_start3A_28] : memref<4x128xi32, #tpu.memory_space<vmem>> -> memref<1x128xi32, #tpu.memory_space<vmem>>
    %dma_start3A_30 = tpu.memref_squeeze %dma_start3A_29 : memref<1x128xi32, #tpu.memory_space<vmem>> -> memref<128xi32, #tpu.memory_space<vmem>>
    %dma_start3A_31 = arith.constant 0 : i32
    %dma_start3A_32 = arith.constant 0 : i32
    %dma_start3A_33 = tpu.memref_slice %arg2[%dma_start3A_31, %dma_start3A_32] : memref<253952x128xi32, #tpu.memory_space<hbm>> -> memref<253952x128xi32, #tpu.memory_space<hbm>>
    tpu.enqueue_indirect_dma source(%dma_start3A_33 : memref<253952x128xi32, #tpu.memory_space<hbm>>) target(%dma_start3A_27 : memref<128x128xi32, #tpu.memory_space<vmem>>) offsets(%dma_start3A_30 : memref<128xi32, #tpu.memory_space<vmem>>) semaphore(%arg10 : memref<!tpu.dma_semaphore, #tpu.memory_space<semaphore_mem>>)
    %dma_start3A_34 = arith.constant 3 : i32
    %dma_start3A_35 = arith.constant 384 : i32
    %dma_start3A_36 = arith.constant 0 : i32
    %dma_start3A_37 = tpu.memref_slice %arg9[%dma_start3A_35, %dma_start3A_36] : memref<512x128xi32, #tpu.memory_space<vmem>> -> memref<128x128xi32, #tpu.memory_space<vmem>>
    %dma_start3A_38 = arith.constant 0 : i32
    %dma_start3A_39 = tpu.memref_slice %arg8[%dma_start3A_34, %dma_start3A_38] : memref<4x128xi32, #tpu.memory_space<vmem>> -> memref<1x128xi32, #tpu.memory_space<vmem>>
    %dma_start3A_40 = tpu.memref_squeeze %dma_start3A_39 : memref<1x128xi32, #tpu.memory_space<vmem>> -> memref<128xi32, #tpu.memory_space<vmem>>
    %dma_start3A_41 = arith.constant 0 : i32
    %dma_start3A_42 = arith.constant 0 : i32
    %dma_start3A_43 = tpu.memref_slice %arg2[%dma_start3A_41, %dma_start3A_42] : memref<253952x128xi32, #tpu.memory_space<hbm>> -> memref<253952x128xi32, #tpu.memory_space<hbm>>
    tpu.enqueue_indirect_dma source(%dma_start3A_43 : memref<253952x128xi32, #tpu.memory_space<hbm>>) target(%dma_start3A_37 : memref<128x128xi32, #tpu.memory_space<vmem>>) offsets(%dma_start3A_40 : memref<128xi32, #tpu.memory_space<vmem>>) semaphore(%arg10 : memref<!tpu.dma_semaphore, #tpu.memory_space<semaphore_mem>>)
    %dma_wait3A = arith.constant 0 : i32
    %dma_wait3A_44 = arith.constant 0 : i32
    %dma_wait3A_45 = arith.constant 0 : i32
    %dma_wait3A_46 = tpu.memref_slice %arg9[%dma_wait3A_44, %dma_wait3A_45] : memref<512x128xi32, #tpu.memory_space<vmem>> -> memref<128x128xi32, #tpu.memory_space<vmem>>
    %dma_wait3A_47 = arith.constant 0 : i32
    %dma_wait3A_48 = tpu.memref_slice %arg8[%dma_wait3A, %dma_wait3A_47] : memref<4x128xi32, #tpu.memory_space<vmem>> -> memref<1x128xi32, #tpu.memory_space<vmem>>
    %dma_wait3A_49 = tpu.memref_squeeze %dma_wait3A_48 : memref<1x128xi32, #tpu.memory_space<vmem>> -> memref<128xi32, #tpu.memory_space<vmem>>
    %dma_wait3A_50 = arith.constant 0 : i32
    %dma_wait3A_51 = arith.constant 0 : i32
    %dma_wait3A_52 = tpu.memref_slice %arg2[%dma_wait3A_50, %dma_wait3A_51] : memref<253952x128xi32, #tpu.memory_space<hbm>> -> memref<253952x128xi32, #tpu.memory_space<hbm>>
    tpu.wait_indirect_dma semaphore(%arg10 : memref<!tpu.dma_semaphore, #tpu.memory_space<semaphore_mem>>) src(%dma_wait3A_52 : memref<253952x128xi32, #tpu.memory_space<hbm>>) dst(%dma_wait3A_46 : memref<128x128xi32, #tpu.memory_space<vmem>>)
    %dma_wait3A_53 = arith.constant 1 : i32
    %dma_wait3A_54 = arith.constant 128 : i32
    %dma_wait3A_55 = arith.constant 0 : i32
    %dma_wait3A_56 = tpu.memref_slice %arg9[%dma_wait3A_54, %dma_wait3A_55] : memref<512x128xi32, #tpu.memory_space<vmem>> -> memref<128x128xi32, #tpu.memory_space<vmem>>
    %dma_wait3A_57 = arith.constant 0 : i32
    %dma_wait3A_58 = tpu.memref_slice %arg8[%dma_wait3A_53, %dma_wait3A_57] : memref<4x128xi32, #tpu.memory_space<vmem>> -> memref<1x128xi32, #tpu.memory_space<vmem>>
    %dma_wait3A_59 = tpu.memref_squeeze %dma_wait3A_58 : memref<1x128xi32, #tpu.memory_space<vmem>> -> memref<128xi32, #tpu.memory_space<vmem>>
    %dma_wait3A_60 = arith.constant 0 : i32
    %dma_wait3A_61 = arith.constant 0 : i32
    %dma_wait3A_62 = tpu.memref_slice %arg2[%dma_wait3A_60, %dma_wait3A_61] : memref<253952x128xi32, #tpu.memory_space<hbm>> -> memref<253952x128xi32, #tpu.memory_space<hbm>>
    tpu.wait_indirect_dma semaphore(%arg10 : memref<!tpu.dma_semaphore, #tpu.memory_space<semaphore_mem>>) src(%dma_wait3A_62 : memref<253952x128xi32, #tpu.memory_space<hbm>>) dst(%dma_wait3A_56 : memref<128x128xi32, #tpu.memory_space<vmem>>)
    %dma_wait3A_63 = arith.constant 2 : i32
    %dma_wait3A_64 = arith.constant 256 : i32
    %dma_wait3A_65 = arith.constant 0 : i32
    %dma_wait3A_66 = tpu.memref_slice %arg9[%dma_wait3A_64, %dma_wait3A_65] : memref<512x128xi32, #tpu.memory_space<vmem>> -> memref<128x128xi32, #tpu.memory_space<vmem>>
    %dma_wait3A_67 = arith.constant 0 : i32
    %dma_wait3A_68 = tpu.memref_slice %arg8[%dma_wait3A_63, %dma_wait3A_67] : memref<4x128xi32, #tpu.memory_space<vmem>> -> memref<1x128xi32, #tpu.memory_space<vmem>>
    %dma_wait3A_69 = tpu.memref_squeeze %dma_wait3A_68 : memref<1x128xi32, #tpu.memory_space<vmem>> -> memref<128xi32, #tpu.memory_space<vmem>>
    %dma_wait3A_70 = arith.constant 0 : i32
    %dma_wait3A_71 = arith.constant 0 : i32
    %dma_wait3A_72 = tpu.memref_slice %arg2[%dma_wait3A_70, %dma_wait3A_71] : memref<253952x128xi32, #tpu.memory_space<hbm>> -> memref<253952x128xi32, #tpu.memory_space<hbm>>
    tpu.wait_indirect_dma semaphore(%arg10 : memref<!tpu.dma_semaphore, #tpu.memory_space<semaphore_mem>>) src(%dma_wait3A_72 : memref<253952x128xi32, #tpu.memory_space<hbm>>) dst(%dma_wait3A_66 : memref<128x128xi32, #tpu.memory_space<vmem>>)
    %dma_wait3A_73 = arith.constant 3 : i32
    %dma_wait3A_74 = arith.constant 384 : i32
    %dma_wait3A_75 = arith.constant 0 : i32
    %dma_wait3A_76 = tpu.memref_slice %arg9[%dma_wait3A_74, %dma_wait3A_75] : memref<512x128xi32, #tpu.memory_space<vmem>> -> memref<128x128xi32, #tpu.memory_space<vmem>>
    %dma_wait3A_77 = arith.constant 0 : i32
    %dma_wait3A_78 = tpu.memref_slice %arg8[%dma_wait3A_73, %dma_wait3A_77] : memref<4x128xi32, #tpu.memory_space<vmem>> -> memref<1x128xi32, #tpu.memory_space<vmem>>
    %dma_wait3A_79 = tpu.memref_squeeze %dma_wait3A_78 : memref<1x128xi32, #tpu.memory_space<vmem>> -> memref<128xi32, #tpu.memory_space<vmem>>
    %dma_wait3A_80 = arith.constant 0 : i32
    %dma_wait3A_81 = arith.constant 0 : i32
    %dma_wait3A_82 = tpu.memref_slice %arg2[%dma_wait3A_80, %dma_wait3A_81] : memref<253952x128xi32, #tpu.memory_space<hbm>> -> memref<253952x128xi32, #tpu.memory_space<hbm>>
    tpu.wait_indirect_dma semaphore(%arg10 : memref<!tpu.dma_semaphore, #tpu.memory_space<semaphore_mem>>) src(%dma_wait3A_82 : memref<253952x128xi32, #tpu.memory_space<hbm>>) dst(%dma_wait3A_76 : memref<128x128xi32, #tpu.memory_space<vmem>>)
    "tpu.region"() ({
      %run_scoped3A = tpu.sem_alloc : memref<!tpu.dma_semaphore, #tpu.memory_space<semaphore_mem>>
      %dma_start3A_163 = arith.constant 0 : i32
      %dma_start3A_164 = tpu.memref_slice %arg6[%mul3A_4, %dma_start3A_163] : memref<16384x128xi32, #tpu.memory_space<hbm>> -> memref<512x128xi32, #tpu.memory_space<hbm>>
      %dma_start3A_165 = arith.constant 0 : i32
      %dma_start3A_166 = tpu.memref_slice %arg6[%mul3A_4, %dma_start3A_165] : memref<16384x128xi32, #tpu.memory_space<hbm>> -> memref<512x128xi32, #tpu.memory_space<hbm>>
      tpu.enqueue_dma source(%arg9 : memref<512x128xi32, #tpu.memory_space<vmem>>) target(%dma_start3A_166 : memref<512x128xi32, #tpu.memory_space<hbm>>) target_semaphore(%run_scoped3A : memref<!tpu.dma_semaphore, #tpu.memory_space<semaphore_mem>>)
      %dma_wait3A_167 = arith.constant 0 : i32
      %dma_wait3A_168 = tpu.memref_slice %arg6[%mul3A_4, %dma_wait3A_167] : memref<16384x128xi32, #tpu.memory_space<hbm>> -> memref<512x128xi32, #tpu.memory_space<hbm>>
      %dma_wait3A_169 = arith.constant 0 : i32
      %dma_wait3A_170 = tpu.memref_slice %arg6[%mul3A_4, %dma_wait3A_169] : memref<16384x128xi32, #tpu.memory_space<hbm>> -> memref<512x128xi32, #tpu.memory_space<hbm>>
      tpu.wait_dma2 semaphore(%run_scoped3A : memref<!tpu.dma_semaphore, #tpu.memory_space<semaphore_mem>>) src(%arg9 : memref<512x128xi32, #tpu.memory_space<vmem>>) dst(%dma_wait3A_170 : memref<512x128xi32, #tpu.memory_space<hbm>>)
      tpu.yield
    }) : () -> ()
    "tpu.region"() ({
      %run_scoped3A = tpu.sem_alloc : memref<!tpu.dma_semaphore, #tpu.memory_space<semaphore_mem>>
      %dma_start3A_163 = arith.constant 0 : i32
      %dma_start3A_164 = tpu.memref_slice %arg5[%mul3A_2, %dma_start3A_163] : memref<128x128xi32, #tpu.memory_space<hbm>> -> memref<4x128xi32, #tpu.memory_space<hbm>>
      %dma_start3A_165 = arith.constant 0 : i32
      %dma_start3A_166 = tpu.memref_slice %arg5[%mul3A_2, %dma_start3A_165] : memref<128x128xi32, #tpu.memory_space<hbm>> -> memref<4x128xi32, #tpu.memory_space<hbm>>
      tpu.enqueue_dma source(%dma_start3A_166 : memref<4x128xi32, #tpu.memory_space<hbm>>) target(%arg8 : memref<4x128xi32, #tpu.memory_space<vmem>>) target_semaphore(%run_scoped3A : memref<!tpu.dma_semaphore, #tpu.memory_space<semaphore_mem>>)
      %dma_wait3A_167 = arith.constant 0 : i32
      %dma_wait3A_168 = tpu.memref_slice %arg5[%mul3A_2, %dma_wait3A_167] : memref<128x128xi32, #tpu.memory_space<hbm>> -> memref<4x128xi32, #tpu.memory_space<hbm>>
      %dma_wait3A_169 = arith.constant 0 : i32
      %dma_wait3A_170 = tpu.memref_slice %arg5[%mul3A_2, %dma_wait3A_169] : memref<128x128xi32, #tpu.memory_space<hbm>> -> memref<4x128xi32, #tpu.memory_space<hbm>>
      tpu.wait_dma2 semaphore(%run_scoped3A : memref<!tpu.dma_semaphore, #tpu.memory_space<semaphore_mem>>) src(%dma_wait3A_170 : memref<4x128xi32, #tpu.memory_space<hbm>>) dst(%arg8 : memref<4x128xi32, #tpu.memory_space<vmem>>)
      tpu.yield
    }) : () -> ()
    %dma_start3A_83 = arith.constant 0 : i32
    %dma_start3A_84 = arith.constant 0 : i32
    %dma_start3A_85 = arith.constant 0 : i32
    %dma_start3A_86 = tpu.memref_slice %arg9[%dma_start3A_84, %dma_start3A_85] : memref<512x128xi32, #tpu.memory_space<vmem>> -> memref<128x128xi32, #tpu.memory_space<vmem>>
    %dma_start3A_87 = arith.constant 0 : i32
    %dma_start3A_88 = tpu.memref_slice %arg8[%dma_start3A_83, %dma_start3A_87] : memref<4x128xi32, #tpu.memory_space<vmem>> -> memref<1x128xi32, #tpu.memory_space<vmem>>
    %dma_start3A_89 = tpu.memref_squeeze %dma_start3A_88 : memref<1x128xi32, #tpu.memory_space<vmem>> -> memref<128xi32, #tpu.memory_space<vmem>>
    %dma_start3A_90 = arith.constant 0 : i32
    %dma_start3A_91 = arith.constant 0 : i32
    %dma_start3A_92 = tpu.memref_slice %arg3[%dma_start3A_90, %dma_start3A_91] : memref<253952x128xi32, #tpu.memory_space<hbm>> -> memref<253952x128xi32, #tpu.memory_space<hbm>>
    tpu.enqueue_indirect_dma source(%dma_start3A_92 : memref<253952x128xi32, #tpu.memory_space<hbm>>) target(%dma_start3A_86 : memref<128x128xi32, #tpu.memory_space<vmem>>) offsets(%dma_start3A_89 : memref<128xi32, #tpu.memory_space<vmem>>) semaphore(%arg10 : memref<!tpu.dma_semaphore, #tpu.memory_space<semaphore_mem>>)
    %dma_start3A_93 = arith.constant 1 : i32
    %dma_start3A_94 = arith.constant 128 : i32
    %dma_start3A_95 = arith.constant 0 : i32
    %dma_start3A_96 = tpu.memref_slice %arg9[%dma_start3A_94, %dma_start3A_95] : memref<512x128xi32, #tpu.memory_space<vmem>> -> memref<128x128xi32, #tpu.memory_space<vmem>>
    %dma_start3A_97 = arith.constant 0 : i32
    %dma_start3A_98 = tpu.memref_slice %arg8[%dma_start3A_93, %dma_start3A_97] : memref<4x128xi32, #tpu.memory_space<vmem>> -> memref<1x128xi32, #tpu.memory_space<vmem>>
    %dma_start3A_99 = tpu.memref_squeeze %dma_start3A_98 : memref<1x128xi32, #tpu.memory_space<vmem>> -> memref<128xi32, #tpu.memory_space<vmem>>
    %dma_start3A_100 = arith.constant 0 : i32
    %dma_start3A_101 = arith.constant 0 : i32
    %dma_start3A_102 = tpu.memref_slice %arg3[%dma_start3A_100, %dma_start3A_101] : memref<253952x128xi32, #tpu.memory_space<hbm>> -> memref<253952x128xi32, #tpu.memory_space<hbm>>
    tpu.enqueue_indirect_dma source(%dma_start3A_102 : memref<253952x128xi32, #tpu.memory_space<hbm>>) target(%dma_start3A_96 : memref<128x128xi32, #tpu.memory_space<vmem>>) offsets(%dma_start3A_99 : memref<128xi32, #tpu.memory_space<vmem>>) semaphore(%arg10 : memref<!tpu.dma_semaphore, #tpu.memory_space<semaphore_mem>>)
    %dma_start3A_103 = arith.constant 2 : i32
    %dma_start3A_104 = arith.constant 256 : i32
    %dma_start3A_105 = arith.constant 0 : i32
    %dma_start3A_106 = tpu.memref_slice %arg9[%dma_start3A_104, %dma_start3A_105] : memref<512x128xi32, #tpu.memory_space<vmem>> -> memref<128x128xi32, #tpu.memory_space<vmem>>
    %dma_start3A_107 = arith.constant 0 : i32
    %dma_start3A_108 = tpu.memref_slice %arg8[%dma_start3A_103, %dma_start3A_107] : memref<4x128xi32, #tpu.memory_space<vmem>> -> memref<1x128xi32, #tpu.memory_space<vmem>>
    %dma_start3A_109 = tpu.memref_squeeze %dma_start3A_108 : memref<1x128xi32, #tpu.memory_space<vmem>> -> memref<128xi32, #tpu.memory_space<vmem>>
    %dma_start3A_110 = arith.constant 0 : i32
    %dma_start3A_111 = arith.constant 0 : i32
    %dma_start3A_112 = tpu.memref_slice %arg3[%dma_start3A_110, %dma_start3A_111] : memref<253952x128xi32, #tpu.memory_space<hbm>> -> memref<253952x128xi32, #tpu.memory_space<hbm>>
    tpu.enqueue_indirect_dma source(%dma_start3A_112 : memref<253952x128xi32, #tpu.memory_space<hbm>>) target(%dma_start3A_106 : memref<128x128xi32, #tpu.memory_space<vmem>>) offsets(%dma_start3A_109 : memref<128xi32, #tpu.memory_space<vmem>>) semaphore(%arg10 : memref<!tpu.dma_semaphore, #tpu.memory_space<semaphore_mem>>)
    %dma_start3A_113 = arith.constant 3 : i32
    %dma_start3A_114 = arith.constant 384 : i32
    %dma_start3A_115 = arith.constant 0 : i32
    %dma_start3A_116 = tpu.memref_slice %arg9[%dma_start3A_114, %dma_start3A_115] : memref<512x128xi32, #tpu.memory_space<vmem>> -> memref<128x128xi32, #tpu.memory_space<vmem>>
    %dma_start3A_117 = arith.constant 0 : i32
    %dma_start3A_118 = tpu.memref_slice %arg8[%dma_start3A_113, %dma_start3A_117] : memref<4x128xi32, #tpu.memory_space<vmem>> -> memref<1x128xi32, #tpu.memory_space<vmem>>
    %dma_start3A_119 = tpu.memref_squeeze %dma_start3A_118 : memref<1x128xi32, #tpu.memory_space<vmem>> -> memref<128xi32, #tpu.memory_space<vmem>>
    %dma_start3A_120 = arith.constant 0 : i32
    %dma_start3A_121 = arith.constant 0 : i32
    %dma_start3A_122 = tpu.memref_slice %arg3[%dma_start3A_120, %dma_start3A_121] : memref<253952x128xi32, #tpu.memory_space<hbm>> -> memref<253952x128xi32, #tpu.memory_space<hbm>>
    tpu.enqueue_indirect_dma source(%dma_start3A_122 : memref<253952x128xi32, #tpu.memory_space<hbm>>) target(%dma_start3A_116 : memref<128x128xi32, #tpu.memory_space<vmem>>) offsets(%dma_start3A_119 : memref<128xi32, #tpu.memory_space<vmem>>) semaphore(%arg10 : memref<!tpu.dma_semaphore, #tpu.memory_space<semaphore_mem>>)
    %dma_wait3A_123 = arith.constant 0 : i32
    %dma_wait3A_124 = arith.constant 0 : i32
    %dma_wait3A_125 = arith.constant 0 : i32
    %dma_wait3A_126 = tpu.memref_slice %arg9[%dma_wait3A_124, %dma_wait3A_125] : memref<512x128xi32, #tpu.memory_space<vmem>> -> memref<128x128xi32, #tpu.memory_space<vmem>>
    %dma_wait3A_127 = arith.constant 0 : i32
    %dma_wait3A_128 = tpu.memref_slice %arg8[%dma_wait3A_123, %dma_wait3A_127] : memref<4x128xi32, #tpu.memory_space<vmem>> -> memref<1x128xi32, #tpu.memory_space<vmem>>
    %dma_wait3A_129 = tpu.memref_squeeze %dma_wait3A_128 : memref<1x128xi32, #tpu.memory_space<vmem>> -> memref<128xi32, #tpu.memory_space<vmem>>
    %dma_wait3A_130 = arith.constant 0 : i32
    %dma_wait3A_131 = arith.constant 0 : i32
    %dma_wait3A_132 = tpu.memref_slice %arg3[%dma_wait3A_130, %dma_wait3A_131] : memref<253952x128xi32, #tpu.memory_space<hbm>> -> memref<253952x128xi32, #tpu.memory_space<hbm>>
    tpu.wait_indirect_dma semaphore(%arg10 : memref<!tpu.dma_semaphore, #tpu.memory_space<semaphore_mem>>) src(%dma_wait3A_132 : memref<253952x128xi32, #tpu.memory_space<hbm>>) dst(%dma_wait3A_126 : memref<128x128xi32, #tpu.memory_space<vmem>>)
    %dma_wait3A_133 = arith.constant 1 : i32
    %dma_wait3A_134 = arith.constant 128 : i32
    %dma_wait3A_135 = arith.constant 0 : i32
    %dma_wait3A_136 = tpu.memref_slice %arg9[%dma_wait3A_134, %dma_wait3A_135] : memref<512x128xi32, #tpu.memory_space<vmem>> -> memref<128x128xi32, #tpu.memory_space<vmem>>
    %dma_wait3A_137 = arith.constant 0 : i32
    %dma_wait3A_138 = tpu.memref_slice %arg8[%dma_wait3A_133, %dma_wait3A_137] : memref<4x128xi32, #tpu.memory_space<vmem>> -> memref<1x128xi32, #tpu.memory_space<vmem>>
    %dma_wait3A_139 = tpu.memref_squeeze %dma_wait3A_138 : memref<1x128xi32, #tpu.memory_space<vmem>> -> memref<128xi32, #tpu.memory_space<vmem>>
    %dma_wait3A_140 = arith.constant 0 : i32
    %dma_wait3A_141 = arith.constant 0 : i32
    %dma_wait3A_142 = tpu.memref_slice %arg3[%dma_wait3A_140, %dma_wait3A_141] : memref<253952x128xi32, #tpu.memory_space<hbm>> -> memref<253952x128xi32, #tpu.memory_space<hbm>>
    tpu.wait_indirect_dma semaphore(%arg10 : memref<!tpu.dma_semaphore, #tpu.memory_space<semaphore_mem>>) src(%dma_wait3A_142 : memref<253952x128xi32, #tpu.memory_space<hbm>>) dst(%dma_wait3A_136 : memref<128x128xi32, #tpu.memory_space<vmem>>)
    %dma_wait3A_143 = arith.constant 2 : i32
    %dma_wait3A_144 = arith.constant 256 : i32
    %dma_wait3A_145 = arith.constant 0 : i32
    %dma_wait3A_146 = tpu.memref_slice %arg9[%dma_wait3A_144, %dma_wait3A_145] : memref<512x128xi32, #tpu.memory_space<vmem>> -> memref<128x128xi32, #tpu.memory_space<vmem>>
    %dma_wait3A_147 = arith.constant 0 : i32
    %dma_wait3A_148 = tpu.memref_slice %arg8[%dma_wait3A_143, %dma_wait3A_147] : memref<4x128xi32, #tpu.memory_space<vmem>> -> memref<1x128xi32, #tpu.memory_space<vmem>>
    %dma_wait3A_149 = tpu.memref_squeeze %dma_wait3A_148 : memref<1x128xi32, #tpu.memory_space<vmem>> -> memref<128xi32, #tpu.memory_space<vmem>>
    %dma_wait3A_150 = arith.constant 0 : i32
    %dma_wait3A_151 = arith.constant 0 : i32
    %dma_wait3A_152 = tpu.memref_slice %arg3[%dma_wait3A_150, %dma_wait3A_151] : memref<253952x128xi32, #tpu.memory_space<hbm>> -> memref<253952x128xi32, #tpu.memory_space<hbm>>
    tpu.wait_indirect_dma semaphore(%arg10 : memref<!tpu.dma_semaphore, #tpu.memory_space<semaphore_mem>>) src(%dma_wait3A_152 : memref<253952x128xi32, #tpu.memory_space<hbm>>) dst(%dma_wait3A_146 : memref<128x128xi32, #tpu.memory_space<vmem>>)
    %dma_wait3A_153 = arith.constant 3 : i32
    %dma_wait3A_154 = arith.constant 384 : i32
    %dma_wait3A_155 = arith.constant 0 : i32
    %dma_wait3A_156 = tpu.memref_slice %arg9[%dma_wait3A_154, %dma_wait3A_155] : memref<512x128xi32, #tpu.memory_space<vmem>> -> memref<128x128xi32, #tpu.memory_space<vmem>>
    %dma_wait3A_157 = arith.constant 0 : i32
    %dma_wait3A_158 = tpu.memref_slice %arg8[%dma_wait3A_153, %dma_wait3A_157] : memref<4x128xi32, #tpu.memory_space<vmem>> -> memref<1x128xi32, #tpu.memory_space<vmem>>
    %dma_wait3A_159 = tpu.memref_squeeze %dma_wait3A_158 : memref<1x128xi32, #tpu.memory_space<vmem>> -> memref<128xi32, #tpu.memory_space<vmem>>
    %dma_wait3A_160 = arith.constant 0 : i32
    %dma_wait3A_161 = arith.constant 0 : i32
    %dma_wait3A_162 = tpu.memref_slice %arg3[%dma_wait3A_160, %dma_wait3A_161] : memref<253952x128xi32, #tpu.memory_space<hbm>> -> memref<253952x128xi32, #tpu.memory_space<hbm>>
    tpu.wait_indirect_dma semaphore(%arg10 : memref<!tpu.dma_semaphore, #tpu.memory_space<semaphore_mem>>) src(%dma_wait3A_162 : memref<253952x128xi32, #tpu.memory_space<hbm>>) dst(%dma_wait3A_156 : memref<128x128xi32, #tpu.memory_space<vmem>>)
    "tpu.region"() ({
      %run_scoped3A = tpu.sem_alloc : memref<!tpu.dma_semaphore, #tpu.memory_space<semaphore_mem>>
      %dma_start3A_163 = arith.constant 0 : i32
      %dma_start3A_164 = tpu.memref_slice %arg7[%mul3A_4, %dma_start3A_163] : memref<16384x128xi32, #tpu.memory_space<hbm>> -> memref<512x128xi32, #tpu.memory_space<hbm>>
      %dma_start3A_165 = arith.constant 0 : i32
      %dma_start3A_166 = tpu.memref_slice %arg7[%mul3A_4, %dma_start3A_165] : memref<16384x128xi32, #tpu.memory_space<hbm>> -> memref<512x128xi32, #tpu.memory_space<hbm>>
      tpu.enqueue_dma source(%arg9 : memref<512x128xi32, #tpu.memory_space<vmem>>) target(%dma_start3A_166 : memref<512x128xi32, #tpu.memory_space<hbm>>) target_semaphore(%run_scoped3A : memref<!tpu.dma_semaphore, #tpu.memory_space<semaphore_mem>>)
      %dma_wait3A_167 = arith.constant 0 : i32
      %dma_wait3A_168 = tpu.memref_slice %arg7[%mul3A_4, %dma_wait3A_167] : memref<16384x128xi32, #tpu.memory_space<hbm>> -> memref<512x128xi32, #tpu.memory_space<hbm>>
      %dma_wait3A_169 = arith.constant 0 : i32
      %dma_wait3A_170 = tpu.memref_slice %arg7[%mul3A_4, %dma_wait3A_169] : memref<16384x128xi32, #tpu.memory_space<hbm>> -> memref<512x128xi32, #tpu.memory_space<hbm>>
      tpu.wait_dma2 semaphore(%run_scoped3A : memref<!tpu.dma_semaphore, #tpu.memory_space<semaphore_mem>>) src(%arg9 : memref<512x128xi32, #tpu.memory_space<vmem>>) dst(%dma_wait3A_170 : memref<512x128xi32, #tpu.memory_space<hbm>>)
      tpu.yield
    }) : () -> ()
    return
  }
}

module attributes {stable_mosaic.version = 14 : i64} {
  func.func @_relayout_body(%arg0: i32, %arg1: memref<64x16384xf32, #tpu.memory_space<vmem>>, %arg2: memref<64x16384xf32, #tpu.memory_space<vmem>>, %arg3: memref<4096x128xi32, #tpu.memory_space<vmem>>, %arg4: memref<4096x128xi32, #tpu.memory_space<vmem>>) attributes {dimension_semantics = [#tpu.dimension_semantics<arbitrary>], iteration_bounds = array<i64: 62>, scalar_prefetch = 0 : i64, scratch_operands = 0 : i64, tpu.core_type = #tpu.core_type<tc>, window_params = [{transform_indices = @transform_0, window_bounds = array<i64: 64, 16384>}, {transform_indices = @transform_1, window_bounds = array<i64: 64, 16384>}, {transform_indices = @transform_2, window_bounds = array<i64: 4096, 128>}, {transform_indices = @transform_3, window_bounds = array<i64: 4096, 128>}]} {
    %get3A = arith.constant 0 : index
    %get3A_0 = arith.constant 0 : index
    %get3A_1 = vector.load %arg1[%get3A, %get3A_0] : memref<64x16384xf32, #tpu.memory_space<vmem>>, vector<64x16384xf32>
    %bitcast_convert_type3A = tpu.bitcast %get3A_1 : vector<64x16384xf32> -> vector<64x16384xi32>
    %slice3A = vector.extract_strided_slice %bitcast_convert_type3A {offsets = [0, 8192], sizes = [64, 8192], strides = [1, 1]} : vector<64x16384xi32> to vector<64x8192xi32>
    %and3A = arith.constant -65536 : i32
    %and3A_2 = vector.broadcast %and3A : i32 to vector<64x8192xi32>
    %and3A_3 = arith.andi %slice3A, %and3A_2 : vector<64x8192xi32>
    %slice3A_4 = vector.extract_strided_slice %bitcast_convert_type3A {offsets = [0, 0], sizes = [64, 8192], strides = [1, 1]} : vector<64x16384xi32> to vector<64x8192xi32>
    %shift_right_logical3A = arith.constant 16 : i32
    %shift_right_logical3A_5 = vector.broadcast %shift_right_logical3A : i32 to vector<64x8192xi32>
    %shift_right_logical3A_6 = arith.shrui %slice3A_4, %shift_right_logical3A_5 : vector<64x8192xi32>
    %or3A = arith.ori %and3A_3, %shift_right_logical3A_6 : vector<64x8192xi32>
    %transpose3A = tpu.transpose %or3A, [1, 0] : vector<64x8192xi32> -> vector<8192x64xi32>
    %slice3A_7 = vector.extract_strided_slice %transpose3A {offsets = [0, 0], sizes = [4096, 64], strides = [1, 1]} : vector<8192x64xi32> to vector<4096x64xi32>
    %slice3A_8 = vector.extract_strided_slice %transpose3A {offsets = [4096, 0], sizes = [4096, 64], strides = [1, 1]} : vector<8192x64xi32> to vector<4096x64xi32>
    %concatenate3A = tpu.concatenate %slice3A_7, %slice3A_8 in 1 : vector<4096x64xi32>, vector<4096x64xi32> -> vector<4096x128xi32>
    %bitcast_convert_type3A_9 = tpu.bitcast %concatenate3A : vector<4096x128xi32> -> vector<4096x128xi32>
    %swap3A = arith.constant 0 : index
    %swap3A_10 = arith.constant 0 : index
    %swap3A_11 = vector.load %arg3[%swap3A, %swap3A_10] : memref<4096x128xi32, #tpu.memory_space<vmem>>, vector<4096x128xi32>
    tpu.vector_store %arg3[%swap3A, %swap3A_10], %bitcast_convert_type3A_9 {strides = array<i32>} : memref<4096x128xi32, #tpu.memory_space<vmem>>, vector<4096x128xi32>,
    %get3A_12 = arith.constant 0 : index
    %get3A_13 = arith.constant 0 : index
    %get3A_14 = vector.load %arg2[%get3A_12, %get3A_13] : memref<64x16384xf32, #tpu.memory_space<vmem>>, vector<64x16384xf32>
    %bitcast_convert_type3A_15 = tpu.bitcast %get3A_14 : vector<64x16384xf32> -> vector<64x16384xi32>
    %slice3A_16 = vector.extract_strided_slice %bitcast_convert_type3A_15 {offsets = [0, 8192], sizes = [64, 8192], strides = [1, 1]} : vector<64x16384xi32> to vector<64x8192xi32>
    %and3A_17 = arith.constant -65536 : i32
    %and3A_18 = vector.broadcast %and3A_17 : i32 to vector<64x8192xi32>
    %and3A_19 = arith.andi %slice3A_16, %and3A_18 : vector<64x8192xi32>
    %slice3A_20 = vector.extract_strided_slice %bitcast_convert_type3A_15 {offsets = [0, 0], sizes = [64, 8192], strides = [1, 1]} : vector<64x16384xi32> to vector<64x8192xi32>
    %shift_right_logical3A_21 = arith.constant 16 : i32
    %shift_right_logical3A_22 = vector.broadcast %shift_right_logical3A_21 : i32 to vector<64x8192xi32>
    %shift_right_logical3A_23 = arith.shrui %slice3A_20, %shift_right_logical3A_22 : vector<64x8192xi32>
    %or3A_24 = arith.ori %and3A_19, %shift_right_logical3A_23 : vector<64x8192xi32>
    %transpose3A_25 = tpu.transpose %or3A_24, [1, 0] : vector<64x8192xi32> -> vector<8192x64xi32>
    %slice3A_26 = vector.extract_strided_slice %transpose3A_25 {offsets = [0, 0], sizes = [4096, 64], strides = [1, 1]} : vector<8192x64xi32> to vector<4096x64xi32>
    %slice3A_27 = vector.extract_strided_slice %transpose3A_25 {offsets = [4096, 0], sizes = [4096, 64], strides = [1, 1]} : vector<8192x64xi32> to vector<4096x64xi32>
    %concatenate3A_28 = tpu.concatenate %slice3A_26, %slice3A_27 in 1 : vector<4096x64xi32>, vector<4096x64xi32> -> vector<4096x128xi32>
    %bitcast_convert_type3A_29 = tpu.bitcast %concatenate3A_28 : vector<4096x128xi32> -> vector<4096x128xi32>
    %swap3A_30 = arith.constant 0 : index
    %swap3A_31 = arith.constant 0 : index
    %swap3A_32 = vector.load %arg4[%swap3A_30, %swap3A_31] : memref<4096x128xi32, #tpu.memory_space<vmem>>, vector<4096x128xi32>
    tpu.vector_store %arg4[%swap3A_30, %swap3A_31], %bitcast_convert_type3A_29 {strides = array<i32>} : memref<4096x128xi32, #tpu.memory_space<vmem>>, vector<4096x128xi32>,
    return
  }
  func.func @transform_0(%arg0: i32) -> (i32, i32) {
    %c0_i32 = arith.constant 0 : i32
    %c0_i32_0 = arith.constant 0 : i32
    return %c0_i32, %arg0 : i32, i32
  }
  func.func @transform_1(%arg0: i32) -> (i32, i32) {
    %c0_i32 = arith.constant 0 : i32
    %c0_i32_0 = arith.constant 0 : i32
    return %c0_i32, %arg0 : i32, i32
  }
  func.func @transform_2(%arg0: i32) -> (i32, i32) {
    %c0_i32 = arith.constant 0 : i32
    %c0_i32_0 = arith.constant 0 : i32
    return %arg0, %c0_i32 : i32, i32
  }
  func.func @transform_3(%arg0: i32) -> (i32, i32) {
    %c0_i32 = arith.constant 0 : i32
    %c0_i32_0 = arith.constant 0 : i32
    return %arg0, %c0_i32 : i32, i32
  }
}

module attributes {stable_mosaic.version = 14 : i64} {
  func.func @_mlp_body(%arg0: i32, %arg1: memref<2048x128xi32, #tpu.memory_space<vmem>>, %arg2: memref<2048x128xi32, #tpu.memory_space<vmem>>, %arg3: memref<2048x1xf32, #tpu.memory_space<vmem>>, %arg4: memref<2048x1xf32, #tpu.memory_space<vmem>>, %arg5: memref<2048x1xf32, #tpu.memory_space<vmem>>, %arg6: memref<2048x1xf32, #tpu.memory_space<vmem>>, %arg7: memref<1x128xf32, #tpu.memory_space<vmem>>, %arg8: memref<1x128xf32, #tpu.memory_space<vmem>>, %arg9: memref<128x128xf32, #tpu.memory_space<vmem>>, %arg10: memref<1x128xf32, #tpu.memory_space<vmem>>, %arg11: memref<128x64xf32, #tpu.memory_space<vmem>>, %arg12: memref<1x64xf32, #tpu.memory_space<vmem>>, %arg13: memref<1x64xf32, #tpu.memory_space<vmem>>, %arg14: memref<1x64xf32, #tpu.memory_space<vmem>>, %arg15: memref<2048x64xf32, #tpu.memory_space<vmem>>) attributes {dimension_semantics = [#tpu.dimension_semantics<arbitrary>], iteration_bounds = array<i64: 8>, scalar_prefetch = 0 : i64, scratch_operands = 0 : i64, tpu.core_type = #tpu.core_type<tc>, window_params = [{transform_indices = @transform_0, window_bounds = array<i64: 2048, 128>}, {transform_indices = @transform_1, window_bounds = array<i64: 2048, 128>}, {transform_indices = @transform_2, window_bounds = array<i64: 2048, 1>}, {transform_indices = @transform_3, window_bounds = array<i64: 2048, 1>}, {transform_indices = @transform_4, window_bounds = array<i64: 2048, 1>}, {transform_indices = @transform_5, window_bounds = array<i64: 2048, 1>}, {pipeline_mode = #tpu.pipeline_mode<synchronous>, transform_indices = @transform_6, window_bounds = array<i64: 1, 128>}, {pipeline_mode = #tpu.pipeline_mode<synchronous>, transform_indices = @transform_7, window_bounds = array<i64: 1, 128>}, {pipeline_mode = #tpu.pipeline_mode<synchronous>, transform_indices = @transform_8, window_bounds = array<i64: 128, 128>}, {pipeline_mode = #tpu.pipeline_mode<synchronous>, transform_indices = @transform_9, window_bounds = array<i64: 1, 128>}, {pipeline_mode = #tpu.pipeline_mode<synchronous>, transform_indices = @transform_10, window_bounds = array<i64: 128, 64>}, {pipeline_mode = #tpu.pipeline_mode<synchronous>, transform_indices = @transform_11, window_bounds = array<i64: 1, 64>}, {pipeline_mode = #tpu.pipeline_mode<synchronous>, transform_indices = @transform_12, window_bounds = array<i64: 1, 64>}, {pipeline_mode = #tpu.pipeline_mode<synchronous>, transform_indices = @transform_13, window_bounds = array<i64: 1, 64>}, {transform_indices = @transform_14, window_bounds = array<i64: 2048, 64>}]} {
    %get3A = arith.constant 0 : index
    %get3A_0 = arith.constant 0 : index
    %get3A_1 = vector.load %arg1[%get3A, %get3A_0] : memref<2048x128xi32, #tpu.memory_space<vmem>>, vector<2048x128xi32>
    %get3A_2 = arith.constant 0 : index
    %get3A_3 = arith.constant 0 : index
    %get3A_4 = vector.load %arg3[%get3A_2, %get3A_3] : memref<2048x1xf32, #tpu.memory_space<vmem>>, vector<2048x1xf32>
    %get3A_5 = arith.constant 0 : index
    %get3A_6 = arith.constant 0 : index
    %get3A_7 = vector.load %arg4[%get3A_5, %get3A_6] : memref<2048x1xf32, #tpu.memory_space<vmem>>, vector<2048x1xf32>
    %bitcast_convert_type3A = tpu.bitcast %get3A_1 : vector<2048x128xi32> -> vector<2048x128xi32>
    %and3A = arith.constant -65536 : i32
    %and3A_8 = vector.broadcast %and3A : i32 to vector<2048x128xi32>
    %and3A_9 = arith.andi %bitcast_convert_type3A, %and3A_8 : vector<2048x128xi32>
    %bitcast_convert_type3A_10 = tpu.bitcast %and3A_9 : vector<2048x128xi32> -> vector<2048x128xf32>
    %shift_left3A = arith.constant 16 : i32
    %shift_left3A_11 = vector.broadcast %shift_left3A : i32 to vector<2048x128xi32>
    %shift_left3A_12 = arith.shli %bitcast_convert_type3A, %shift_left3A_11 : vector<2048x128xi32>
    %bitcast_convert_type3A_13 = tpu.bitcast %shift_left3A_12 : vector<2048x128xi32> -> vector<2048x128xf32>
    %gt3A = arith.constant 5.000000e-01 : f32
    %gt3A_14 = vector.broadcast %gt3A : f32 to vector<2048x1xf32>
    %gt3A_15 = arith.cmpf ogt, %get3A_7, %gt3A_14 : vector<2048x1xf32>
    %broadcast_in_dim3A = vector.shape_cast %gt3A_15 : vector<2048x1xi1> to vector<2048x1xi1>
    %broadcast_in_dim3A_16 = vector.broadcast %broadcast_in_dim3A : vector<2048x1xi1> to vector<2048x128xi1>
    %select_n3A = arith.select %broadcast_in_dim3A_16, %bitcast_convert_type3A_10, %bitcast_convert_type3A_13 : vector<2048x128xi1>, vector<2048x128xf32>
    %gt3A_17 = arith.constant 5.000000e-01 : f32
    %gt3A_18 = vector.broadcast %gt3A_17 : f32 to vector<2048x1xf32>
    %gt3A_19 = arith.cmpf ogt, %get3A_4, %gt3A_18 : vector<2048x1xf32>
    %slice3A = vector.extract_strided_slice %select_n3A {offsets = [0, 64], sizes = [2048, 64], strides = [1, 1]} : vector<2048x128xf32> to vector<2048x64xf32>
    %slice3A_20 = vector.extract_strided_slice %select_n3A {offsets = [0, 0], sizes = [2048, 64], strides = [1, 1]} : vector<2048x128xf32> to vector<2048x64xf32>
    %broadcast_in_dim3A_21 = vector.shape_cast %gt3A_19 : vector<2048x1xi1> to vector<2048x1xi1>
    %broadcast_in_dim3A_22 = vector.broadcast %broadcast_in_dim3A_21 : vector<2048x1xi1> to vector<2048x64xi1>
    %select_n3A_23 = arith.select %broadcast_in_dim3A_22, %slice3A, %slice3A_20 : vector<2048x64xi1>, vector<2048x64xf32>
    %get3A_24 = arith.constant 0 : index
    %get3A_25 = arith.constant 0 : index
    %get3A_26 = vector.load %arg2[%get3A_24, %get3A_25] : memref<2048x128xi32, #tpu.memory_space<vmem>>, vector<2048x128xi32>
    %get3A_27 = arith.constant 0 : index
    %get3A_28 = arith.constant 0 : index
    %get3A_29 = vector.load %arg5[%get3A_27, %get3A_28] : memref<2048x1xf32, #tpu.memory_space<vmem>>, vector<2048x1xf32>
    %get3A_30 = arith.constant 0 : index
    %get3A_31 = arith.constant 0 : index
    %get3A_32 = vector.load %arg6[%get3A_30, %get3A_31] : memref<2048x1xf32, #tpu.memory_space<vmem>>, vector<2048x1xf32>
    %bitcast_convert_type3A_33 = tpu.bitcast %get3A_26 : vector<2048x128xi32> -> vector<2048x128xi32>
    %and3A_34 = arith.constant -65536 : i32
    %and3A_35 = vector.broadcast %and3A_34 : i32 to vector<2048x128xi32>
    %and3A_36 = arith.andi %bitcast_convert_type3A_33, %and3A_35 : vector<2048x128xi32>
    %bitcast_convert_type3A_37 = tpu.bitcast %and3A_36 : vector<2048x128xi32> -> vector<2048x128xf32>
    %shift_left3A_38 = arith.constant 16 : i32
    %shift_left3A_39 = vector.broadcast %shift_left3A_38 : i32 to vector<2048x128xi32>
    %shift_left3A_40 = arith.shli %bitcast_convert_type3A_33, %shift_left3A_39 : vector<2048x128xi32>
    %bitcast_convert_type3A_41 = tpu.bitcast %shift_left3A_40 : vector<2048x128xi32> -> vector<2048x128xf32>
    %gt3A_42 = arith.constant 5.000000e-01 : f32
    %gt3A_43 = vector.broadcast %gt3A_42 : f32 to vector<2048x1xf32>
    %gt3A_44 = arith.cmpf ogt, %get3A_32, %gt3A_43 : vector<2048x1xf32>
    %broadcast_in_dim3A_45 = vector.shape_cast %gt3A_44 : vector<2048x1xi1> to vector<2048x1xi1>
    %broadcast_in_dim3A_46 = vector.broadcast %broadcast_in_dim3A_45 : vector<2048x1xi1> to vector<2048x128xi1>
    %select_n3A_47 = arith.select %broadcast_in_dim3A_46, %bitcast_convert_type3A_37, %bitcast_convert_type3A_41 : vector<2048x128xi1>, vector<2048x128xf32>
    %gt3A_48 = arith.constant 5.000000e-01 : f32
    %gt3A_49 = vector.broadcast %gt3A_48 : f32 to vector<2048x1xf32>
    %gt3A_50 = arith.cmpf ogt, %get3A_29, %gt3A_49 : vector<2048x1xf32>
    %slice3A_51 = vector.extract_strided_slice %select_n3A_47 {offsets = [0, 64], sizes = [2048, 64], strides = [1, 1]} : vector<2048x128xf32> to vector<2048x64xf32>
    %slice3A_52 = vector.extract_strided_slice %select_n3A_47 {offsets = [0, 0], sizes = [2048, 64], strides = [1, 1]} : vector<2048x128xf32> to vector<2048x64xf32>
    %broadcast_in_dim3A_53 = vector.shape_cast %gt3A_50 : vector<2048x1xi1> to vector<2048x1xi1>
    %broadcast_in_dim3A_54 = vector.broadcast %broadcast_in_dim3A_53 : vector<2048x1xi1> to vector<2048x64xi1>
    %select_n3A_55 = arith.select %broadcast_in_dim3A_54, %slice3A_51, %slice3A_52 : vector<2048x64xi1>, vector<2048x64xf32>
    %concatenate3A = tpu.concatenate %select_n3A_23, %select_n3A_55 in 1 : vector<2048x64xf32>, vector<2048x64xf32> -> vector<2048x128xf32>
    %reduce_sum3A = arith.constant dense<0.000000e+00> : vector<2048xf32>
    %reduce_sum3A_56 = vector.multi_reduction <add>, %concatenate3A, %reduce_sum3A [1] : vector<2048x128xf32> to vector<2048xf32>
    %broadcast_in_dim3A_57 = vector.shape_cast %reduce_sum3A_56 : vector<2048xf32> to vector<2048x1xf32>
    %div3A = arith.constant 1.280000e+02 : f32
    %div3A_58 = vector.broadcast %div3A : f32 to vector<2048x1xf32>
    %div3A_59 = arith.divf %broadcast_in_dim3A_57, %div3A_58 : vector<2048x1xf32>
    %sub3A = vector.broadcast %div3A_59 : vector<2048x1xf32> to vector<2048x128xf32>
    %sub3A_60 = arith.subf %concatenate3A, %sub3A : vector<2048x128xf32>
    %mul3A = arith.mulf %sub3A_60, %sub3A_60 : vector<2048x128xf32>
    %reduce_sum3A_61 = arith.constant dense<0.000000e+00> : vector<2048xf32>
    %reduce_sum3A_62 = vector.multi_reduction <add>, %mul3A, %reduce_sum3A_61 [1] : vector<2048x128xf32> to vector<2048xf32>
    %broadcast_in_dim3A_63 = vector.shape_cast %reduce_sum3A_62 : vector<2048xf32> to vector<2048x1xf32>
    %div3A_64 = arith.constant 1.280000e+02 : f32
    %div3A_65 = vector.broadcast %div3A_64 : f32 to vector<2048x1xf32>
    %div3A_66 = arith.divf %broadcast_in_dim3A_63, %div3A_65 : vector<2048x1xf32>
    %add3A = arith.constant 9.99999974E-6 : f32
    %add3A_67 = vector.broadcast %add3A : f32 to vector<2048x1xf32>
    %add3A_68 = arith.addf %div3A_66, %add3A_67 : vector<2048x1xf32>
    %rsqrt3A = math.rsqrt %add3A_68 : vector<2048x1xf32>
    %mul3A_69 = vector.broadcast %rsqrt3A : vector<2048x1xf32> to vector<2048x128xf32>
    %mul3A_70 = arith.mulf %sub3A_60, %mul3A_69 : vector<2048x128xf32>
    %get3A_71 = arith.constant 0 : index
    %get3A_72 = arith.constant 0 : index
    %get3A_73 = vector.load %arg7[%get3A_71, %get3A_72] : memref<1x128xf32, #tpu.memory_space<vmem>>, vector<1x128xf32>
    %mul3A_74 = vector.broadcast %get3A_73 : vector<1x128xf32> to vector<2048x128xf32>
    %mul3A_75 = arith.mulf %mul3A_70, %mul3A_74 : vector<2048x128xf32>
    %get3A_76 = arith.constant 0 : index
    %get3A_77 = arith.constant 0 : index
    %get3A_78 = vector.load %arg8[%get3A_76, %get3A_77] : memref<1x128xf32, #tpu.memory_space<vmem>>, vector<1x128xf32>
    %add3A_79 = vector.broadcast %get3A_78 : vector<1x128xf32> to vector<2048x128xf32>
    %add3A_80 = arith.addf %mul3A_75, %add3A_79 : vector<2048x128xf32>
    %get3A_81 = arith.constant 0 : index
    %get3A_82 = arith.constant 0 : index
    %get3A_83 = vector.load %arg9[%get3A_81, %get3A_82] : memref<128x128xf32, #tpu.memory_space<vmem>>, vector<128x128xf32>
    %dot_general3A = arith.constant dense<0.000000e+00> : vector<2048x128xf32>
    %dot_general3A_84 = tpu.matmul %add3A_80, %get3A_83, %dot_general3A {dimension_numbers = #tpu.dot_dimension_numbers<[1], [0], [0], [1], [0, 0, 1, 1], [], []>, transpose_lhs_hint = false} : vector<2048x128xf32>, vector<128x128xf32>, vector<2048x128xf32> -> vector<2048x128xf32>
    %get3A_85 = arith.constant 0 : index
    %get3A_86 = arith.constant 0 : index
    %get3A_87 = vector.load %arg10[%get3A_85, %get3A_86] : memref<1x128xf32, #tpu.memory_space<vmem>>, vector<1x128xf32>
    %add3A_88 = vector.broadcast %get3A_87 : vector<1x128xf32> to vector<2048x128xf32>
    %add3A_89 = arith.addf %dot_general3A_84, %add3A_88 : vector<2048x128xf32>
    %max3A = arith.constant 0.000000e+00 : f32
    %max3A_90 = vector.broadcast %max3A : f32 to vector<2048x128xf32>
    %max3A_91 = arith.maximumf %add3A_89, %max3A_90 : vector<2048x128xf32>
    %get3A_92 = arith.constant 0 : index
    %get3A_93 = arith.constant 0 : index
    %get3A_94 = vector.load %arg11[%get3A_92, %get3A_93] : memref<128x64xf32, #tpu.memory_space<vmem>>, vector<128x64xf32>
    %dot_general3A_95 = arith.constant dense<0.000000e+00> : vector<2048x64xf32>
    %dot_general3A_96 = tpu.matmul %max3A_91, %get3A_94, %dot_general3A_95 {dimension_numbers = #tpu.dot_dimension_numbers<[1], [0], [0], [1], [0, 0, 1, 1], [], []>, transpose_lhs_hint = false} : vector<2048x128xf32>, vector<128x64xf32>, vector<2048x64xf32> -> vector<2048x64xf32>
    %get3A_97 = arith.constant 0 : index
    %get3A_98 = arith.constant 0 : index
    %get3A_99 = vector.load %arg12[%get3A_97, %get3A_98] : memref<1x64xf32, #tpu.memory_space<vmem>>, vector<1x64xf32>
    %add3A_100 = vector.broadcast %get3A_99 : vector<1x64xf32> to vector<2048x64xf32>
    %add3A_101 = arith.addf %dot_general3A_96, %add3A_100 : vector<2048x64xf32>
    %reduce_sum3A_102 = arith.constant dense<0.000000e+00> : vector<2048xf32>
    %reduce_sum3A_103 = vector.multi_reduction <add>, %add3A_101, %reduce_sum3A_102 [1] : vector<2048x64xf32> to vector<2048xf32>
    %broadcast_in_dim3A_104 = vector.shape_cast %reduce_sum3A_103 : vector<2048xf32> to vector<2048x1xf32>
    %div3A_105 = arith.constant 6.400000e+01 : f32
    %div3A_106 = vector.broadcast %div3A_105 : f32 to vector<2048x1xf32>
    %div3A_107 = arith.divf %broadcast_in_dim3A_104, %div3A_106 : vector<2048x1xf32>
    %sub3A_108 = vector.broadcast %div3A_107 : vector<2048x1xf32> to vector<2048x64xf32>
    %sub3A_109 = arith.subf %add3A_101, %sub3A_108 : vector<2048x64xf32>
    %mul3A_110 = arith.mulf %sub3A_109, %sub3A_109 : vector<2048x64xf32>
    %reduce_sum3A_111 = arith.constant dense<0.000000e+00> : vector<2048xf32>
    %reduce_sum3A_112 = vector.multi_reduction <add>, %mul3A_110, %reduce_sum3A_111 [1] : vector<2048x64xf32> to vector<2048xf32>
    %broadcast_in_dim3A_113 = vector.shape_cast %reduce_sum3A_112 : vector<2048xf32> to vector<2048x1xf32>
    %div3A_114 = arith.constant 6.400000e+01 : f32
    %div3A_115 = vector.broadcast %div3A_114 : f32 to vector<2048x1xf32>
    %div3A_116 = arith.divf %broadcast_in_dim3A_113, %div3A_115 : vector<2048x1xf32>
    %add3A_117 = arith.constant 9.99999974E-6 : f32
    %add3A_118 = vector.broadcast %add3A_117 : f32 to vector<2048x1xf32>
    %add3A_119 = arith.addf %div3A_116, %add3A_118 : vector<2048x1xf32>
    %rsqrt3A_120 = math.rsqrt %add3A_119 : vector<2048x1xf32>
    %mul3A_121 = vector.broadcast %rsqrt3A_120 : vector<2048x1xf32> to vector<2048x64xf32>
    %mul3A_122 = arith.mulf %sub3A_109, %mul3A_121 : vector<2048x64xf32>
    %get3A_123 = arith.constant 0 : index
    %get3A_124 = arith.constant 0 : index
    %get3A_125 = vector.load %arg13[%get3A_123, %get3A_124] : memref<1x64xf32, #tpu.memory_space<vmem>>, vector<1x64xf32>
    %mul3A_126 = vector.broadcast %get3A_125 : vector<1x64xf32> to vector<2048x64xf32>
    %mul3A_127 = arith.mulf %mul3A_122, %mul3A_126 : vector<2048x64xf32>
    %get3A_128 = arith.constant 0 : index
    %get3A_129 = arith.constant 0 : index
    %get3A_130 = vector.load %arg14[%get3A_128, %get3A_129] : memref<1x64xf32, #tpu.memory_space<vmem>>, vector<1x64xf32>
    %add3A_131 = vector.broadcast %get3A_130 : vector<1x64xf32> to vector<2048x64xf32>
    %add3A_132 = arith.addf %mul3A_127, %add3A_131 : vector<2048x64xf32>
    %swap3A = arith.constant 0 : index
    %swap3A_133 = arith.constant 0 : index
    %swap3A_134 = vector.load %arg15[%swap3A, %swap3A_133] : memref<2048x64xf32, #tpu.memory_space<vmem>>, vector<2048x64xf32>
    tpu.vector_store %arg15[%swap3A, %swap3A_133], %add3A_132 {strides = array<i32>} : memref<2048x64xf32, #tpu.memory_space<vmem>>, vector<2048x64xf32>,
    return
  }
  func.func @transform_0(%arg0: i32) -> (i32, i32) {
    %c0_i32 = arith.constant 0 : i32
    %c0_i32_0 = arith.constant 0 : i32
    return %arg0, %c0_i32 : i32, i32
  }
  func.func @transform_1(%arg0: i32) -> (i32, i32) {
    %c0_i32 = arith.constant 0 : i32
    %c0_i32_0 = arith.constant 0 : i32
    return %arg0, %c0_i32 : i32, i32
  }
  func.func @transform_2(%arg0: i32) -> (i32, i32) {
    %c0_i32 = arith.constant 0 : i32
    %c0_i32_0 = arith.constant 0 : i32
    return %arg0, %c0_i32 : i32, i32
  }
  func.func @transform_3(%arg0: i32) -> (i32, i32) {
    %c0_i32 = arith.constant 0 : i32
    %c0_i32_0 = arith.constant 0 : i32
    return %arg0, %c0_i32 : i32, i32
  }
  func.func @transform_4(%arg0: i32) -> (i32, i32) {
    %c0_i32 = arith.constant 0 : i32
    %c0_i32_0 = arith.constant 0 : i32
    return %arg0, %c0_i32 : i32, i32
  }
  func.func @transform_5(%arg0: i32) -> (i32, i32) {
    %c0_i32 = arith.constant 0 : i32
    %c0_i32_0 = arith.constant 0 : i32
    return %arg0, %c0_i32 : i32, i32
  }
  func.func @transform_6(%arg0: i32) -> (i32, i32) {
    %c0_i32 = arith.constant 0 : i32
    %c0_i32_0 = arith.constant 0 : i32
    %c0_i32_1 = arith.constant 0 : i32
    return %c0_i32, %c0_i32_0 : i32, i32
  }
  func.func @transform_7(%arg0: i32) -> (i32, i32) {
    %c0_i32 = arith.constant 0 : i32
    %c0_i32_0 = arith.constant 0 : i32
    %c0_i32_1 = arith.constant 0 : i32
    return %c0_i32, %c0_i32_0 : i32, i32
  }
  func.func @transform_8(%arg0: i32) -> (i32, i32) {
    %c0_i32 = arith.constant 0 : i32
    %c0_i32_0 = arith.constant 0 : i32
    %c0_i32_1 = arith.constant 0 : i32
    return %c0_i32, %c0_i32_0 : i32, i32
  }
  func.func @transform_9(%arg0: i32) -> (i32, i32) {
    %c0_i32 = arith.constant 0 : i32
    %c0_i32_0 = arith.constant 0 : i32
    %c0_i32_1 = arith.constant 0 : i32
    return %c0_i32, %c0_i32_0 : i32, i32
  }
  func.func @transform_10(%arg0: i32) -> (i32, i32) {
    %c0_i32 = arith.constant 0 : i32
    %c0_i32_0 = arith.constant 0 : i32
    %c0_i32_1 = arith.constant 0 : i32
    return %c0_i32, %c0_i32_0 : i32, i32
  }
  func.func @transform_11(%arg0: i32) -> (i32, i32) {
    %c0_i32 = arith.constant 0 : i32
    %c0_i32_0 = arith.constant 0 : i32
    %c0_i32_1 = arith.constant 0 : i32
    return %c0_i32, %c0_i32_0 : i32, i32
  }
  func.func @transform_12(%arg0: i32) -> (i32, i32) {
    %c0_i32 = arith.constant 0 : i32
    %c0_i32_0 = arith.constant 0 : i32
    %c0_i32_1 = arith.constant 0 : i32
    return %c0_i32, %c0_i32_0 : i32, i32
  }
  func.func @transform_13(%arg0: i32) -> (i32, i32) {
    %c0_i32 = arith.constant 0 : i32
    %c0_i32_0 = arith.constant 0 : i32
    %c0_i32_1 = arith.constant 0 : i32
    return %c0_i32, %c0_i32_0 : i32, i32
  }
  func.func @transform_14(%arg0: i32) -> (i32, i32) {
    %c0_i32 = arith.constant 0 : i32
    %c0_i32_0 = arith.constant 0 : i32
    return %arg0, %c0_i32 : i32, i32
  }
}

</mosaic_0001>

<sc_bundles>
// kernel: kernel.5.cloned.1.call-start
scs
__scs_entry_jumppad:
0x0: {  	(pc) =	sbr.rel $0x88, $3  }
0x1: {  	(tag) =	ssettag $0x0;
	lr =	simm.s32 $0x1  }
0x2: {  	[smem:$0x3F95] =	sst lr;
	_ =	strace $0xD0000000  }
0x3: {  	_ = 	snop  }
0x4: {  	_ = 	snop  }
0x5: {  	_ = 	snop  }
0x6: {  	_ = 	snop  }
0x7: {  	_ = 	snop  }
__scs_overlays_trampoline_lowered:
0x8: {  	[smem:$0x3FA4] =	sst s0  }
0x9: {  	[smem:$0x3FA5] =	sst s1  }
0xa: {  	[smem:$0x3FA6] =	sst s2  }
0xb: {  	[smem:$0x3FA7] =	sst s3  }
0xc: {  	[smem:$0x3FA8] =	sst s4  }
0xd: {  	[smem:$0x3FA9] =	sst s5  }
0xe: {  	[smem:$0x3FAA] =	sst s6  }
0xf: {  	[smem:$0x3FAB] =	sst s7  }
0x10: {  	[smem:$0x3FAC] =	sst s8  }
0x11: {  	[smem:$0x3FAD] =	sst s9;
	s0 =	simm.s32 @!p0 $0x0  }
0x12: {  	s1 =	sld [smem:$0x3F93];
	s0 =	simm.s32 @p0 $0x1  }
0x13: {  	[smem:$0x3FAE] =	sst s0;
	s0 =	simm.s32 @!p1 $0x0  }
0x14: {  	s2 =	sld [smem:$0x3F92];
	s0 =	simm.s32 @p1 $0x1  }
0x15: {  	[smem:$0x3FAF] =	sst s0;
	s0 =	simm.s32 @!p2 $0x0  }
0x16: {  	s3 =	sld [smem:$0x3FDB];
	s0 =	simm.s32 @p2 $0x1  }
0x17: {  	s4 =	simm.s32 $0x1BF5;
	[smem:$0x3FB1] =	sst s0  }
0x18: {  	s0 =	sld [smem:$0x3F94];
	_ =	swait.ge [sflag:s4], $0x0  }
0x19: {  	s7 =	sld [smem:$0x3F95]  }
0x1a: {  	s8 =	sadd.s32 $0xFFFFE003, lr  }
0x1b: {  	s9 =	sadd.s32 $0xFFFFFEF7, lr;
	s5 =	simm.s32 $0xFFFFFFFF;
	p2 =	slt.u32 s8, $0xFFFFF086  }
0x1c: {  	p1 =	slt.u32 s9, $0xF7A;
	s5 =	simm.s32 @!p2 $0x0  }
0x1d: {  	s5 =	simm.s32 @p1 $0x1;
	p0 =	seq.s32 s7, s2  }
0x1e: {  	s7 =	smul.u32 @!p0 $0xF7A, s2;
	p2 =	seq.s32 @!p0 s5, $0x0  }
0x1f: {  	s9 =	smul.u32 $0xF7A, s1;
	s8 =	simm.s32 @!p0 $0x1BF5;
	p2 =	por !p2, p0  }
0x20: {  	[sflag:s8] =	ssyncset.s32 @!p0 $0xFFFFF086;
	s6 =	sadd.s32 @!p0 s3, s7;
	s7 =	simm.s32 @!p0 $0x108  }
0x21: {  	s3 =	sadd.s32 s3, s9;
	s6 =	sadd.s32 @!p0 $0x88, s6;
	s7 =	simm.s32 @p2 $0x1082  }
0x22: {  	[simem:s7], [sflag:s8] =	dma.local @!p0 [hbm:s6], $0xF7A  }
0x23: {  	s9 =	sor.u32 $0xD0000000, s2;
	s6 =	simm.s32 $0x108;
	_ =	swait.ge @!p0 [sflag:s8], $0x0  }
0x24: {  	s3 =	sadd.s32 $0x88, s3;
	s6 =	simm.s32 @!p1 $0x1082;
	[sflag:s4] =	ssyncset.s32 $0xFFFFF086  }
0x25: {  	[simem:s6], [sflag:s4] =	dma.local [hbm:s3], $0xF7A  }
0x26: {  	[smem:$0x3F95] =	sst s1;
	(tag) =	ssettag s2;
	_ =	strace s9  }
0x27: {  	s1 =	sld [smem:$0x3FA5]  }
0x28: {  	s2 =	sld [smem:$0x3FA6]  }
0x29: {  	s4 =	sld [smem:$0x3FA8]  }
0x2a: {  	p0 =	seq.s32 s5, $0x0;
	s5 =	sld [smem:$0x3FA9]  }
0x2b: {  	s6 =	sld [smem:$0x3FAA]  }
0x2c: {  	s7 =	sld [smem:$0x3FAB]  }
0x2d: {  	s3 =	simm.s32 $0x108;
	s8 =	sld [smem:$0x3FAC]  }
0x2e: {  	s3 =	simm.s32 @!p0 $0x1082;
	s9 =	sld [smem:$0x3FAD]  }
0x2f: {  	lr =	sadd.s32 s0, s3;
	s0 =	sld [smem:$0x3FA4]  }
0x30: {  	s3 =	sld [smem:$0x3FA7]  }
0x31: {  	[smem:$0x3FB0] =	sst s10  }
0x32: {  	s10 =	sld [smem:$0x3FAE];
	_ =	sdelay $0x3  }
0x33: {  	p0 =	seq.s32 s10, $0x1;
	s10 =	sld [smem:$0x3FB0];
	_ =	sdelay $0x3  }
0x34: {  	[smem:$0x3FB0] =	sst s10  }
0x35: {  	s10 =	sld [smem:$0x3FAF];
	_ =	sdelay $0x3  }
0x36: {  	p1 =	seq.s32 s10, $0x1;
	s10 =	sld [smem:$0x3FB0];
	_ =	sdelay $0x3  }
0x37: {  	[smem:$0x3FB0] =	sst s10  }
0x38: {  	s10 =	sld [smem:$0x3FB1]  }
0x39: {  	_ = 	snop;
	(pc) =	sbr.ind lr, $3  }
0x3a: {  	_ = 	snop  }
0x3b: {  	_ = 	snop  }
0x3c: {  	p2 =	seq.s32 s10, $0x1;
	s10 =	sld [smem:$0x3FB0]  }
0x3d: {  	_ =	shalt  }
0x3e: {  	_ =	shalt  }
0x3f: {  	_ =	shalt  }
0x40: {  	_ =	shalt  }
0x41: {  	_ =	shalt  }
0x42: {  	_ =	shalt  }
0x43: {  	_ =	shalt  }
0x44: {  	_ =	shalt  }
0x45: {  	_ =	shalt  }
0x46: {  	_ =	shalt  }
0x47: {  	_ =	shalt  }
0x48: {  	_ =	shalt  }
0x49: {  	_ =	shalt  }
0x4a: {  	_ =	shalt  }
0x4b: {  	_ =	shalt  }
0x4c: {  	_ =	shalt  }
0x4d: {  	_ =	shalt  }
0x4e: {  	_ =	shalt  }
0x4f: {  	_ =	shalt  }
0x50: {  	_ =	shalt  }
0x51: {  	_ =	shalt  }
0x52: {  	_ =	shalt  }
0x53: {  	_ =	shalt  }
0x54: {  	_ =	shalt  }
0x55: {  	_ =	shalt  }
0x56: {  	_ =	shalt  }
0x57: {  	_ =	shalt  }
0x58: {  	_ =	shalt  }
0x59: {  	_ =	shalt  }
0x5a: {  	_ =	shalt  }
0x5b: {  	_ =	shalt  }
0x5c: {  	_ =	shalt  }
0x5d: {  	_ =	shalt  }
0x5e: {  	_ =	shalt  }
0x5f: {  	_ =	shalt  }
0x60: {  	_ =	shalt  }
0x61: {  	_ =	shalt  }
0x62: {  	_ =	shalt  }
0x63: {  	_ =	shalt  }
0x64: {  	_ =	shalt  }
0x65: {  	_ =	shalt  }
0x66: {  	_ =	shalt  }
0x67: {  	_ =	shalt  }
0x68: {  	_ =	shalt  }
0x69: {  	_ =	shalt  }
0x6a: {  	_ =	shalt  }
0x6b: {  	_ =	shalt  }
0x6c: {  	_ =	shalt  }
0x6d: {  	_ =	shalt  }
0x6e: {  	_ =	shalt  }
0x6f: {  	_ =	shalt  }
0x70: {  	_ =	shalt  }
0x71: {  	_ =	shalt  }
0x72: {  	_ =	shalt  }
0x73: {  	_ =	shalt  }
0x74: {  	_ =	shalt  }
0x75: {  	_ =	shalt  }
0x76: {  	_ =	shalt  }
0x77: {  	_ =	shalt  }
0x78: {  	_ =	shalt  }
0x79: {  	_ =	shalt  }
0x7a: {  	_ =	shalt  }
0x7b: {  	_ =	shalt  }
0x7c: {  	_ =	shalt  }
0x7d: {  	_ =	shalt  }
0x7e: {  	_ =	shalt  }
0x7f: {  	_ =	shalt  }
0x80: {  	_ =	shalt  }
0x81: {  	_ =	shalt  }
0x82: {  	_ =	shalt  }
0x83: {  	_ =	shalt  }
0x84: {  	_ =	shalt  }
0x85: {  	_ =	shalt  }
0x86: {  	_ =	shalt  }
0x87: {  	_ =	shalt  }
.Lfunc_end0:
.L_simem_size_0:
called_computation_lowered:
.L_overlay_start_0:
0x88: {  	s2 =	sld [smem:$0x3FD9]  }
0x89: {  	s3 =	sld [smem:$0x3FFE];
	_ =	sdelay $0x1  }
0x8a: {  	s1 =	srdreg.scid  }
0x8b: {  	s0 =	sand.u32 $0x1, s1  }
0x8c: {  	s16 =	sshll.u32 s0, $0xA;
	s2 =	sadd.s32 s3, s2  }
0x8d: {  	s2 =	sadd.s32 s2, s16  }
0x8e: {  	[smem:$0x3FBC] =	sst s2  }
0x8f: {  	_ = 	snop  }
0x90: {  	(tm) =	ssettm $0x1  }
0x91: {  	s17 =	sld [smem:$0x3FFB];
	_ =	sdelay $0x3  }
0x92: {  	_ =	strace s17  }
0x93: {  	s2 =	sld [smem:$0x3FFC];
	_ =	sdelay $0x3  }
0x94: {  	_ =	strace s2  }
0x95: {  	s2 =	sld [smem:$0x3FFD];
	_ =	sdelay $0x3  }
0x96: {  	_ =	strace s2  }
0x97: {  	_ =	strace $0x8FFFFFFF  }
0x98: {  	s18 =	sld [smem:$0x3FDB];
	_ =	sdelay $0x1  }
0x99: {  	s19 =	simm.s32 $_scs_section_size  }
0x9a: {  	s4 =	simm.s32 $_size__tile_overlayer_lowered;
	s5 =	simm.s32 $_tile_overlayer_lowered  }
0x9b: {  	s22 =	simm.s32 $0x1BFF;
	s21 =	sshll.u32 s5, $0x1;
	s2 =	sadd.s32 s19, s18  }
0x9c: {  	s6 =	simm.s32 $0x0;
	s20 =	sshll.u32 s4, $0x1;
	s4 =	sadd.s32 s21, s2  }
0x9d: {  	[timem:s6], [sflag:s22] =	dma.local [hbm:s4], s20  }
0x9e: {  	_ =	swait.ge [sflag:s22], s20  }
0x9f: {  	s3 =	ssub.s32 $0x0, s20;
	[sflag:s22] =	ssyncset.done $0x0  }
0xa0: {  	[sflag:s22] =	ssyncadd.s32 s3;
	_ =	sdelay $0x1  }
0xa1: {  	s23 =	simm.s32 $0x1B8B  }
0xa2: {  	_ =	swait.ge [sflag:s23], $0x1  }
0xa3: {  	[sflag:s23] =	ssyncset.done $0x0  }
0xa4: {  	s25 =	simm.s32 $0x1B8E;
	s24 =	sld [smem:$0x3FFE];
	[sflag:s23] =	ssyncadd.s32 $0xFFFFFFFF  }
0xa5: {  	s26 =	simm.s32 $execute0_lowered;
	[smem:$0x3FD2] =	sst s25  }
0xa6: {  	s4 =	sshll.u32 s26, $0x1;
	_ =	strace $0x80000046;
	[dreg:$0x1] =	wrdreg $0xFFFFFFFF  }
0xa7: {  	s28 =	simm.s32 $_size_execute0_lowered;
	s2 =	sadd.s32 s2, s4;
	[dreg:$0x0] =	wrdreg $0x0  }
0xa8: {  	s4 =	sshll.u32 s28, $0x1;
	[dreg:$0x2] =	wrdreg s2  }
0xa9: {  	[dreg:$0x3] =	wrdreg s4  }
0xaa: {  	[dreg:$0x4] =	wrdreg $0xC0  }
0xab: {  	_ =	task [dreg:s6], $0x5FFFF  }
0xac: {  	[dreg:$0x1] =	wrdreg $0xFFFFFFFF  }
0xad: {  	[dreg:$0x0] =	wrdreg $0x60  }
0xae: {  	[dreg:$0x2] =	wrdreg s24  }
0xaf: {  	[dreg:$0x3] =	wrdreg $0x9  }
0xb0: {  	_ =	task.clear_ibuf [dreg:s6], $0x4FFFF;
	_ =	strace $0x90000046  }
0xb1: {  	s29 =	simm.s32 $0x9;
	_ =	strace $0x80000048  }
0xb2: {  	_ =	swait.ge [sflag:s29], $0x1  }
0xb3: {  	[sflag:s29] =	ssyncadd.s32 $0xFFFFFFFF  }
0xb4: {  	_ =	strace $0x90000048  }
0xb5: {  	_ =	sfence  }
0xb6: {  	s30 =	sld [smem:$0x0];
	_ =	sdelay $0x2  }
0xb7: {  	s31 =	sshll.u32 s1, $0xD;
	s1 =	sshrl.u32 s1, $0x2  }
0xb8: {  	s3 =	sand.u32 $0x4000, s31;
	s1 =	sadd.s32 s1, s30  }
0xb9: {  	s0 =	sor.u32 s3, s0;
	s1 =	sshll.u32 s1, $0x11  }
0xba: {  	s0 =	sor.u32 s1, s0  }
0xbb: {  	s0 =	sadd.s32 $0x8F2B, s0  }
0xbc: {  	[sflag:s0] =	ssyncadd.remote.s32 $0x1  }
0xbd: {  	_ =	sfence.sel $0xFFFF  }
0xbe: {  	[dreg:$0x0] =	wrdreg $0xFFFFFFFF;
	(pc) =	sbr.abs _section_cstart, $3  }
0xbf: {  	[dreg:$0x1] =	wrdreg $0xFFFFFFFF  }
0xc0: {  	_ =	task.clear_ibuf [dreg:s6], $0x2FFFF;
	_ =	strace $0x9FFFFFFF  }
0xc1: {  	(tm) =	ssettm $0x7FFFFFFF  }
tec
execute0_lowered:
.L_overlay_start_1:
0x0: {  	(tag) =	ssettag $0x1  }
0x1: {  	s1 =	srdreg.scid  }
0x2: {  	s0 =	stileid.u32;
	s17 =	sand.u32 $0x1, s1  }
0x3: {  	s16 =	rddreg [dreg:$0x0];
	s3 =	sshll.u32 s0, $0x7;
	s4 =	sshll.u32 s17, $0x6  }
0x4: {  	s2 =	simm.s32 $0x0;
	s1 =	rddreg [dreg:$0x1];
	s3 =	sor.u32 s4, s3  }
0x5: {  	[smem:$0x7FF] =	sst s2;
	s15 =	sadd.s32 s3, s16  }
0x6: {  	_ =	strace $0x80000047;
	s3 =	simm.s32 $0x2;
	s4 =	sadd.s32 $0x4600, s15  }
0x7: {  	[tilespmem:s2], [sflag:$0x2] =	stream.linear.gather [hbm4b:s4+s2], $0x200, $0x38;
	[tilespmem:$0x10200] =	vst v63  }
0x8: {  	_ =	swait.ge [sflag:s3], $0x200  }
0x9: {  	s6 =	simm.s32 $0x80;
	[sflag:s3] =	ssyncset.done $0x0  }
0xa: {  	s7 =	simm.s32 $0x200;
	s5 =	sadd.s32 $0x4E00, s16;
	[sflag:s3] =	ssyncadd.s32 $0xFFFFFE00  }
0xb: {  	[tilespmem:s7], [sflag:$0x1] =	stream.indirect.gather [hbm4b:s5+s6], $0x80, s2, s6, $0xb8;
	[tilespmem:$0x10200] =	vst v63  }
0xc: {  	s8 =	simm.s32 $0x4200  }
0xd: {  	[tilespmem:s8], [sflag:$0x1] =	stream.indirect.gather [hbm4b:s5+s6], $0x80, s6, s6, $0xb8;
	[tilespmem:$0x10200] =	vst v63  }
0xe: {  	s9 =	simm.s32 $0x100;
	s10 =	simm.s32 $0x8200  }
0xf: {  	[tilespmem:s10], [sflag:$0x1] =	stream.indirect.gather [hbm4b:s5+s6], $0x80, s9, s6, $0xb8;
	[tilespmem:$0x10200] =	vst v63  }
0x10: {  	s11 =	simm.s32 $0x180;
	s12 =	simm.s32 $0xC200;
	s13 =	simm.s32 $0x1  }
0x11: {  	[tilespmem:s12], [sflag:$0x1] =	stream.indirect.gather [hbm4b:s5+s6], $0x80, s11, s6, $0xb8;
	[tilespmem:$0x10200] =	vst v63  }
0x12: {  	_ =	swait.ge [sflag:s13], $0x4000  }
0x13: {  	[sflag:s13] =	ssyncset.done $0x0  }
0x14: {  	[sflag:s13] =	ssyncadd.s32 $0xFFFFC000  }
0x15: {  	_ =	swait.ge [sflag:s13], $0x4000  }
0x16: {  	[sflag:s13] =	ssyncset.done $0x0  }
0x17: {  	[sflag:s13] =	ssyncadd.s32 $0xFFFFC000  }
0x18: {  	_ =	swait.ge [sflag:s13], $0x4000  }
0x19: {  	[sflag:s13] =	ssyncset.done $0x0  }
0x1a: {  	s14 =	sshll.u32 s0, $0xE;
	s18 =	sshll.u32 s17, $0xD;
	[sflag:s13] =	ssyncadd.s32 $0xFFFFC000  }
0x1b: {  	s14 =	sor.u32 s18, s14;
	_ =	swait.ge [sflag:s13], $0x4000  }
0x1c: {  	s18 =	sadd.s32 s14, s16;
	[sflag:s13] =	ssyncset.done $0x0  }
0x1d: {  	s14 =	sadd.s32 $0x7C4E00, s18;
	[sflag:s13] =	ssyncadd.s32 $0xFFFFC000  }
0x1e: {  	[hbm4b:s14+s2] =	stream.linear.scatter [tilespmem:s7], [sflag:$0x2], $0x10000, $0x38;
	[tilespmem:$0x10200] =	vst v63  }
0x1f: {  	_ =	swait.ge [sflag:s3], $0x10000  }
0x20: {  	[sflag:s3] =	ssyncset.done $0x0  }
0x21: {  	s15 =	sadd.s32 $0x3E00, s15;
	[sflag:s3] =	ssyncadd.s32 $0xFFFF0000  }
0x22: {  	[tilespmem:s2], [sflag:$0x2] =	stream.linear.gather [hbm4b:s15+s2], $0x200, $0x38;
	[tilespmem:$0x10200] =	vst v63  }
0x23: {  	_ =	swait.ge [sflag:s3], $0x200  }
0x24: {  	[sflag:s3] =	ssyncset.done $0x0  }
0x25: {  	s16 =	sadd.s32 $0x3E4E00, s16;
	[sflag:s3] =	ssyncadd.s32 $0xFFFFFE00  }
0x26: {  	[tilespmem:s7], [sflag:$0x1] =	stream.indirect.gather [hbm4b:s16+s6], $0x80, s2, s6, $0xb8;
	[tilespmem:$0x10200] =	vst v63  }
0x27: {  	_ = 	snop  }
0x28: {  	[tilespmem:s8], [sflag:$0x1] =	stream.indirect.gather [hbm4b:s16+s6], $0x80, s6, s6, $0xb8;
	[tilespmem:$0x10200] =	vst v63  }
0x29: {  	_ = 	snop  }
0x2a: {  	[tilespmem:s10], [sflag:$0x1] =	stream.indirect.gather [hbm4b:s16+s6], $0x80, s9, s6, $0xb8;
	[tilespmem:$0x10200] =	vst v63  }
0x2b: {  	_ = 	snop  }
0x2c: {  	[tilespmem:s12], [sflag:$0x1] =	stream.indirect.gather [hbm4b:s16+s6], $0x80, s11, s6, $0xb8;
	[tilespmem:$0x10200] =	vst v63  }
0x2d: {  	_ =	swait.ge [sflag:s13], $0x4000  }
0x2e: {  	[sflag:s13] =	ssyncset.done $0x0  }
0x2f: {  	[sflag:s13] =	ssyncadd.s32 $0xFFFFC000  }
0x30: {  	_ =	swait.ge [sflag:s13], $0x4000  }
0x31: {  	[sflag:s13] =	ssyncset.done $0x0  }
0x32: {  	s17 =	ssub.s32 $0x2, s17;
	[sflag:s13] =	ssyncadd.s32 $0xFFFFC000  }
0x33: {  	s19 =	sshrl.u32 s17, $0x1;
	_ =	swait.ge [sflag:s13], $0x4000  }
0x34: {  	s19 =	ssub.s32 s17, s19;
	[sflag:s13] =	ssyncset.done $0x0  }
0x35: {  	s31 =	smax.u32 s19, $0x1;
	[sflag:s13] =	ssyncadd.s32 $0xFFFFC000  }
0x36: {  	p0 =	sne.s32 s31, $0x1;
	_ =	swait.ge [sflag:s13], $0x4000  }
.Ltmp0:
0x37: {  	[sflag:s13] =	ssyncset.done $0x0;
	(pc) =	sbr.rel @!p0 .LBB2_2-.Ltmp0, $4  }
0x38: {  	s17 =	sadd.s32 $0x804E00, s18;
	[sflag:s13] =	ssyncadd.s32 $0xFFFFC000  }
0x39: {  	[hbm4b:s17+s2] =	stream.linear.scatter [tilespmem:s7], [sflag:$0x2], $0x10000, $0x38;
	[tilespmem:$0x10200] =	vst v63  }
0x3a: {  	_ =	swait.ge [sflag:s3], $0x10000  }
0x3b: {  	s18 =	sadd.s32 $0xFFFFFFFF, s31;
	[sflag:s3] =	ssyncset.done $0x0  }
.LBB2_1:
0x3c: {  	p0 =	sne.s32 s18, $0x1;
	s18 =	sadd.s32 $0xFFFFFFFF, s18;
	[sflag:s3] =	ssyncadd.s32 $0xFFFF0000  }
0x3d: {  	[tilespmem:s2], [sflag:$0x2] =	stream.linear.gather [hbm4b:s4+s2], $0x200, $0x38;
	[tilespmem:$0x10200] =	vst v63  }
0x3e: {  	_ =	swait.ge [sflag:s3], $0x200  }
0x3f: {  	[sflag:s3] =	ssyncset.done $0x0  }
0x40: {  	[sflag:s3] =	ssyncadd.s32 $0xFFFFFE00  }
0x41: {  	[tilespmem:s7], [sflag:$0x1] =	stream.indirect.gather [hbm4b:s5+s6], $0x80, s2, s6, $0xb8;
	[tilespmem:$0x10200] =	vst v63  }
0x42: {  	_ = 	snop  }
0x43: {  	[tilespmem:s8], [sflag:$0x1] =	stream.indirect.gather [hbm4b:s5+s6], $0x80, s6, s6, $0xb8;
	[tilespmem:$0x10200] =	vst v63  }
0x44: {  	_ = 	snop  }
0x45: {  	[tilespmem:s10], [sflag:$0x1] =	stream.indirect.gather [hbm4b:s5+s6], $0x80, s9, s6, $0xb8;
	[tilespmem:$0x10200] =	vst v63  }
0x46: {  	_ = 	snop  }
0x47: {  	[tilespmem:s12], [sflag:$0x1] =	stream.indirect.gather [hbm4b:s5+s6], $0x80, s11, s6, $0xb8;
	[tilespmem:$0x10200] =	vst v63  }
0x48: {  	_ =	swait.ge [sflag:s13], $0x4000  }
0x49: {  	[sflag:s13] =	ssyncset.done $0x0  }
0x4a: {  	[sflag:s13] =	ssyncadd.s32 $0xFFFFC000  }
0x4b: {  	_ =	swait.ge [sflag:s13], $0x4000  }
0x4c: {  	[sflag:s13] =	ssyncset.done $0x0  }
0x4d: {  	[sflag:s13] =	ssyncadd.s32 $0xFFFFC000  }
0x4e: {  	_ =	swait.ge [sflag:s13], $0x4000  }
0x4f: {  	[sflag:s13] =	ssyncset.done $0x0  }
0x50: {  	[sflag:s13] =	ssyncadd.s32 $0xFFFFC000  }
0x51: {  	_ =	swait.ge [sflag:s13], $0x4000  }
0x52: {  	[sflag:s13] =	ssyncset.done $0x0  }
0x53: {  	[sflag:s13] =	ssyncadd.s32 $0xFFFFC000  }
0x54: {  	[hbm4b:s14+s2] =	stream.linear.scatter [tilespmem:s7], [sflag:$0x2], $0x10000, $0x38;
	[tilespmem:$0x10200] =	vst v63  }
0x55: {  	_ =	swait.ge [sflag:s3], $0x10000  }
0x56: {  	[sflag:s3] =	ssyncset.done $0x0  }
0x57: {  	[sflag:s3] =	ssyncadd.s32 $0xFFFF0000  }
0x58: {  	[tilespmem:s2], [sflag:$0x2] =	stream.linear.gather [hbm4b:s15+s2], $0x200, $0x38;
	[tilespmem:$0x10200] =	vst v63  }
0x59: {  	_ =	swait.ge [sflag:s3], $0x200  }
0x5a: {  	[sflag:s3] =	ssyncset.done $0x0  }
0x5b: {  	[sflag:s3] =	ssyncadd.s32 $0xFFFFFE00  }
0x5c: {  	[tilespmem:s7], [sflag:$0x1] =	stream.indirect.gather [hbm4b:s16+s6], $0x80, s2, s6, $0xb8;
	[tilespmem:$0x10200] =	vst v63  }
0x5d: {  	_ = 	snop  }
0x5e: {  	[tilespmem:s8], [sflag:$0x1] =	stream.indirect.gather [hbm4b:s16+s6], $0x80, s6, s6, $0xb8;
	[tilespmem:$0x10200] =	vst v63  }
0x5f: {  	_ = 	snop  }
0x60: {  	[tilespmem:s10], [sflag:$0x1] =	stream.indirect.gather [hbm4b:s16+s6], $0x80, s9, s6, $0xb8;
	[tilespmem:$0x10200] =	vst v63  }
0x61: {  	_ = 	snop  }
0x62: {  	[tilespmem:s12], [sflag:$0x1] =	stream.indirect.gather [hbm4b:s16+s6], $0x80, s11, s6, $0xb8;
	[tilespmem:$0x10200] =	vst v63  }
0x63: {  	_ =	swait.ge [sflag:s13], $0x4000  }
0x64: {  	[sflag:s13] =	ssyncset.done $0x0  }
0x65: {  	[sflag:s13] =	ssyncadd.s32 $0xFFFFC000  }
0x66: {  	_ =	swait.ge [sflag:s13], $0x4000  }
0x67: {  	[sflag:s13] =	ssyncset.done $0x0  }
0x68: {  	[sflag:s13] =	ssyncadd.s32 $0xFFFFC000  }
0x69: {  	_ =	swait.ge [sflag:s13], $0x4000  }
0x6a: {  	[sflag:s13] =	ssyncset.done $0x0  }
0x6b: {  	[sflag:s13] =	ssyncadd.s32 $0xFFFFC000  }
0x6c: {  	_ =	swait.ge [sflag:s13], $0x4000  }
.Ltmp1:
0x6d: {  	[sflag:s13] =	ssyncset.done $0x0;
	(pc) =	sbr.rel @p0 .LBB2_1-.Ltmp1, $4  }
0x6e: {  	[sflag:s13] =	ssyncadd.s32 $0xFFFFC000  }
0x6f: {  	[hbm4b:s17+s2] =	stream.linear.scatter [tilespmem:s7], [sflag:$0x2], $0x10000, $0x38;
	[tilespmem:$0x10200] =	vst v63  }
0x70: {  	_ =	swait.ge [sflag:s3], $0x10000  }
0x71: {  	[sflag:s3] =	ssyncset.done $0x0  }
.LBB2_2:
0x72: {  	[sflag:s3] =	ssyncadd.s32 $0xFFFF0000  }
0x73: {  	_ =	sfence.sel $0x180000  }
0x74: {  	[bflag:$0x0] =	sbarrier.arrive $0xFFFF  }
0x75: {  	p0 =	sne.s32 s0, $0x0;
	_ =	strace $0x90000047  }
0x76: {  	s0 =	sadd.s32 @!p0 $0x100000, s1;
	[bflag:$0x2] =	sbarrier.arrive $0xFFFF  }
0x77: {  	[sflag:s0] =	ssyncadd.tile.s32 @!p0 $0x1;
	_ =	shalt  }
.Lfunc_end2:
_tile_overlayer_lowered:
.L_overlay_start_2:
0x78: {  	(tag) =	ssettag $0x2  }
0x79: {  	s0 =	rddreg [dreg:$0x0];
	s2 =	stileid.u32  }
0x7a: {  	s1 =	rddreg [dreg:$0x1];
	p0 =	sne.s32 s2, $0x0  }
0x7b: {  	s3 =	rddreg [dreg:$0x2];
	[bflag:$0x3] =	sbarrier.arrive $0xFFFF;
	s2 =	simm.s32 @!p0 $0x1C02  }
0x7c: {  	[timem:s3], [sflag:s2] =	dma.local @!p0 [hbm:s0], s1  }
0x7d: {  	s0 =	simm.s32 @!p0 $0x2  }
0x7e: {  	_ =	swait.ge @!p0 [sflag:s0], s1  }
0x7f: {  	s1 =	ssub.s32 @!p0 $0x0, s1;
	[sflag:s0] =	ssyncset.done @!p0 $0x0  }
0x80: {  	[sflag:s0] =	ssyncadd.s32 @!p0 s1  }
0x81: {  	[bflag:$0x3] =	sbarrier.arrive $0xFFFF  }
0x82: {  	_ =	shalt  }

</sc_bundles>
